<compile_context>
chip_gen: v7x
topology: tpu7x:2x2x1
jax: 0.10.2.dev20260603
libtpu: 0.0.44.dev20260713+nightly
codegen_flags: <defaults>
</compile_context>

<pallas_src>
import functools

import jax
import jax.numpy as jnp
from jax import lax
from jax.experimental import pallas as pl
from jax.experimental.pallas import tpu as pltpu
from jax.experimental.pallas import tpu_sc as plsc

B = 16384
D = 128
N_NT = 16
R = 16
L = 16

NUM_WORKERS = 32
ROWS_PER = B // NUM_WORKERS
GROUPS = ROWS_PER // L

BLK = 2048


def _gain_body(nt_hbm, w_hbm, idx_hbm, g_hbm, nt_v, w_v, idx_v, g_v):
    c = lax.axis_index("c")
    s = lax.axis_index("s")
    wid = s * 2 + c
    base = wid * ROWS_PER
    pltpu.sync_copy(nt_hbm.at[pl.ds(base, ROWS_PER), :], nt_v)
    pltpu.sync_copy(w_hbm, w_v)
    pltpu.sync_copy(idx_hbm, idx_v)

    iota = lax.iota(jnp.int32, L)
    idx_reg = idx_v[...]
    w_reg = w_v[...]
    wv_vec = jnp.zeros((N_NT,), jnp.float32)
    for r in range(R):
        wv_vec = wv_vec + jnp.where(iota == idx_reg[r], w_reg[r], 0.0)
    wvec = [wv_vec[n] for n in range(N_NT)]
    col_ids = [jnp.full((L,), n, jnp.int32) for n in range(N_NT)]

    def group(i, carry):
        rows = i * L + iota
        acc = jnp.zeros((L,), jnp.float32)
        for n in range(N_NT):
            col = plsc.load_gather(nt_v, [rows, col_ids[n]])
            acc = acc + wvec[n] * col
        g = 0.1 + 1.9 / (1.0 + jnp.exp(-acc))
        g_v[pl.ds(i * L, L)] = g
        return carry

    lax.fori_loop(0, GROUPS, group, 0)
    pltpu.sync_copy(g_v, g_hbm.at[pl.ds(base, ROWS_PER)])


_gain_kernel = pl.kernel(
    _gain_body,
    out_type=jax.ShapeDtypeStruct((B,), jnp.float32),
    mesh=plsc.VectorSubcoreMesh(core_axis_name="c", subcore_axis_name="s"),
    compiler_params=pltpu.CompilerParams(needs_layout_passes=False),
    scratch_types=[
        pltpu.VMEM((ROWS_PER, N_NT), jnp.float32),
        pltpu.VMEM((R,), jnp.float32),
        pltpu.VMEM((R,), jnp.int32),
        pltpu.VMEM((ROWS_PER,), jnp.float32),
    ],
)


def _mul_body(x_ref, g_ref, o_ref):
    o_ref[...] = x_ref[...] * g_ref[...]


@jax.jit
def kernel(x, nt_levels, w, idx):
    g = _gain_kernel(nt_levels, w, idx)
    g2 = g.reshape(B, 1)
    return pl.pallas_call(
        _mul_body,
        grid=(B // BLK,),
        in_specs=[
            pl.BlockSpec((BLK, D), lambda i: (i, 0)),
            pl.BlockSpec((BLK, 1), lambda i: (i, 0)),
        ],
        out_specs=pl.BlockSpec((BLK, D), lambda i: (i, 0)),
        out_shape=jax.ShapeDtypeStruct((B, D), jnp.float32),
    )(x, g2)

# --- scband reference (transcript-rebuilt; emitter-appended) ---
"""Pipeline reference for scband-receptor-bank-89970974917453 (READ-ONLY COPY).

The authoritative reference and input builder live on the scoring server;
editing this copy changes nothing except your own understanding.
"""

import jax, jax.numpy as jnp
import numpy as np

B = 16384
D = 128
N_NT = 16
R = 16

def setup_inputs(seed: int = 0) -> dict:
    key = jax.random.key(seed)
    k1, k2, k3, k4 = jax.random.split(key, 4)
    x = jax.random.normal(k1, (B, D), dtype=jnp.float32)
    nt_levels = jax.random.uniform(k2, (B, N_NT), dtype=jnp.float32)
    # learned parameter: w_i = weight_i * sign_i per receptor
    w = jax.random.normal(k3, (R,), dtype=jnp.float32) * 0.5
    # receptor -> neurotransmitter index buffer (constant)
    idx = jax.random.randint(k4, (R,), 0, N_NT, dtype=jnp.int32)
    return {"x": x, "nt_levels": nt_levels, "w": w, "idx": idx}

def reference(x, nt_levels, w, idx):
    # gain: select receptor-specific NT levels, weighted sum, sigmoid-clamp
    levels = jnp.take(nt_levels, idx, axis=1)          # (B, R) gather on dim 1
    contrib = (levels * w).sum(-1)                      # (B,)
    g = 0.1 + 1.9 * jax.nn.sigmoid(contrib)             # (B,)
    # modulate: broadcast gain over trailing dims of x
    shape = (g.shape[0],) + (1,) * (x.ndim - 1)
    return x * g.reshape(shape)

if __name__ == "__main__":
    import jax
    _d = setup_inputs()
    print(jax.jit(kernel)(*tuple(_d.values())))

</pallas_src>

<mosaic_0001>
#map = affine_map<(d0, d1) -> (0, 0)>
#map1 = affine_map<(d0, d1) -> (0)>
module attributes {stable_mosaic.version = 14 : i64} {
  func.func @_gain_body(%arg0: i32, %arg1: i32, %arg2: memref<16384x16xf32, #tpu.memory_space<hbm>>, %arg3: memref<16xf32, #tpu.memory_space<hbm>>, %arg4: memref<16xi32, #tpu.memory_space<hbm>>, %arg5: memref<16384xf32, #tpu.memory_space<hbm>>, %arg6: memref<512x16xf32, #tpu.memory_space<vmem>>, %arg7: memref<16xf32, #tpu.memory_space<vmem>>, %arg8: memref<16xi32, #tpu.memory_space<vmem>>, %arg9: memref<512xf32, #tpu.memory_space<vmem>>) attributes {dimension_semantics = [#tpu.dimension_semantics<core_parallel>, #tpu.dimension_semantics<subcore_parallel>], iteration_bounds = array<i64: 2, 16>, scalar_prefetch = 0 : i64, scratch_operands = 4 : i64, tpu.core_type = #tpu.core_type<sc_vector_subcore>, window_params = [{transform_indices = #map}, {transform_indices = #map1}, {transform_indices = #map1}, {transform_indices = #map1}]} {
    %mul3A = arith.constant 2 : i32
    %mul3A_0 = arith.muli %arg1, %mul3A : i32
    %add3A = arith.addi %mul3A_0, %arg0 : i32
    %mul3A_1 = arith.constant 512 : i32
    %mul3A_2 = arith.muli %add3A, %mul3A_1 : i32
    "tpu.region"() ({
      %run_scoped3A = tpu.sem_alloc : memref<!tpu.dma_semaphore, #tpu.memory_space<semaphore_mem>>
      %dma_start3A = arith.constant 0 : i32
      %dma_start3A_247 = tpu.memref_slice %arg2[%mul3A_2, %dma_start3A] : memref<16384x16xf32, #tpu.memory_space<hbm>> -> memref<512x16xf32, #tpu.memory_space<hbm>>
      %dma_start3A_248 = arith.constant 0 : i32
      %dma_start3A_249 = tpu.memref_slice %arg2[%mul3A_2, %dma_start3A_248] : memref<16384x16xf32, #tpu.memory_space<hbm>> -> memref<512x16xf32, #tpu.memory_space<hbm>>
      tpu.enqueue_dma source(%dma_start3A_249 : memref<512x16xf32, #tpu.memory_space<hbm>>) target(%arg6 : memref<512x16xf32, #tpu.memory_space<vmem>>) target_semaphore(%run_scoped3A : memref<!tpu.dma_semaphore, #tpu.memory_space<semaphore_mem>>)
      %dma_wait3A = arith.constant 0 : i32
      %dma_wait3A_250 = tpu.memref_slice %arg2[%mul3A_2, %dma_wait3A] : memref<16384x16xf32, #tpu.memory_space<hbm>> -> memref<512x16xf32, #tpu.memory_space<hbm>>
      %dma_wait3A_251 = arith.constant 0 : i32
      %dma_wait3A_252 = tpu.memref_slice %arg2[%mul3A_2, %dma_wait3A_251] : memref<16384x16xf32, #tpu.memory_space<hbm>> -> memref<512x16xf32, #tpu.memory_space<hbm>>
      tpu.wait_dma2 semaphore(%run_scoped3A : memref<!tpu.dma_semaphore, #tpu.memory_space<semaphore_mem>>) src(%dma_wait3A_252 : memref<512x16xf32, #tpu.memory_space<hbm>>) dst(%arg6 : memref<512x16xf32, #tpu.memory_space<vmem>>)
      tpu.yield
    }) : () -> ()
    "tpu.region"() ({
      %run_scoped3A = tpu.sem_alloc : memref<!tpu.dma_semaphore, #tpu.memory_space<semaphore_mem>>
      tpu.enqueue_dma source(%arg3 : memref<16xf32, #tpu.memory_space<hbm>>) target(%arg7 : memref<16xf32, #tpu.memory_space<vmem>>) target_semaphore(%run_scoped3A : memref<!tpu.dma_semaphore, #tpu.memory_space<semaphore_mem>>)
      tpu.wait_dma2 semaphore(%run_scoped3A : memref<!tpu.dma_semaphore, #tpu.memory_space<semaphore_mem>>) src(%arg3 : memref<16xf32, #tpu.memory_space<hbm>>) dst(%arg7 : memref<16xf32, #tpu.memory_space<vmem>>)
      tpu.yield
    }) : () -> ()
    "tpu.region"() ({
      %run_scoped3A = tpu.sem_alloc : memref<!tpu.dma_semaphore, #tpu.memory_space<semaphore_mem>>
      tpu.enqueue_dma source(%arg4 : memref<16xi32, #tpu.memory_space<hbm>>) target(%arg8 : memref<16xi32, #tpu.memory_space<vmem>>) target_semaphore(%run_scoped3A : memref<!tpu.dma_semaphore, #tpu.memory_space<semaphore_mem>>)
      tpu.wait_dma2 semaphore(%run_scoped3A : memref<!tpu.dma_semaphore, #tpu.memory_space<semaphore_mem>>) src(%arg4 : memref<16xi32, #tpu.memory_space<hbm>>) dst(%arg8 : memref<16xi32, #tpu.memory_space<vmem>>)
      tpu.yield
    }) : () -> ()
    %iota3A = tpu.iota {dimensions = array<i32: 0>} : vector<16xi32>
    %get3A = arith.constant 0 : index
    %get3A_3 = tpu.vector_load %arg8[%get3A] {strides = array<i32>} : memref<16xi32, #tpu.memory_space<vmem>>, vector<16xi32>,
    %get3A_4 = arith.constant 0 : index
    %get3A_5 = tpu.vector_load %arg7[%get3A_4] {strides = array<i32>} : memref<16xf32, #tpu.memory_space<vmem>>, vector<16xf32>,
    %broadcast_in_dim3A = arith.constant 0.000000e+00 : f32
    %broadcast_in_dim3A_6 = vector.broadcast %broadcast_in_dim3A : f32 to vector<16xf32>
    %slice3A = vector.extract_strided_slice %get3A_3 {offsets = [0], sizes = [1], strides = [1]} : vector<16xi32> to vector<1xi32>
    %squeeze3A = vector.extract %slice3A[0] : i32 from vector<1xi32>
    %eq3A = vector.broadcast %squeeze3A : i32 to vector<16xi32>
    %eq3A_7 = arith.cmpi eq, %iota3A, %eq3A : vector<16xi32>
    %slice3A_8 = vector.extract_strided_slice %get3A_5 {offsets = [0], sizes = [1], strides = [1]} : vector<16xf32> to vector<1xf32>
    %squeeze3A_9 = vector.extract %slice3A_8[0] : f32 from vector<1xf32>
    %jit3A = arith.constant 0.000000e+00 : f32
    %broadcast_in_dim3A_10 = vector.broadcast %squeeze3A_9 : f32 to vector<16xf32>
    %broadcast_in_dim3A_11 = vector.broadcast %jit3A : f32 to vector<16xf32>
    %select_n3A = arith.select %eq3A_7, %broadcast_in_dim3A_10, %broadcast_in_dim3A_11 : vector<16xi1>, vector<16xf32>
    %add3A_12 = arith.addf %broadcast_in_dim3A_6, %select_n3A : vector<16xf32>
    %slice3A_13 = vector.extract_strided_slice %get3A_3 {offsets = [1], sizes = [1], strides = [1]} : vector<16xi32> to vector<1xi32>
    %squeeze3A_14 = vector.extract %slice3A_13[0] : i32 from vector<1xi32>
    %eq3A_15 = vector.broadcast %squeeze3A_14 : i32 to vector<16xi32>
    %eq3A_16 = arith.cmpi eq, %iota3A, %eq3A_15 : vector<16xi32>
    %slice3A_17 = vector.extract_strided_slice %get3A_5 {offsets = [1], sizes = [1], strides = [1]} : vector<16xf32> to vector<1xf32>
    %squeeze3A_18 = vector.extract %slice3A_17[0] : f32 from vector<1xf32>
    %jit3A_19 = arith.constant 0.000000e+00 : f32
    %broadcast_in_dim3A_20 = vector.broadcast %squeeze3A_18 : f32 to vector<16xf32>
    %broadcast_in_dim3A_21 = vector.broadcast %jit3A_19 : f32 to vector<16xf32>
    %select_n3A_22 = arith.select %eq3A_16, %broadcast_in_dim3A_20, %broadcast_in_dim3A_21 : vector<16xi1>, vector<16xf32>
    %add3A_23 = arith.addf %add3A_12, %select_n3A_22 : vector<16xf32>
    %slice3A_24 = vector.extract_strided_slice %get3A_3 {offsets = [2], sizes = [1], strides = [1]} : vector<16xi32> to vector<1xi32>
    %squeeze3A_25 = vector.extract %slice3A_24[0] : i32 from vector<1xi32>
    %eq3A_26 = vector.broadcast %squeeze3A_25 : i32 to vector<16xi32>
    %eq3A_27 = arith.cmpi eq, %iota3A, %eq3A_26 : vector<16xi32>
    %slice3A_28 = vector.extract_strided_slice %get3A_5 {offsets = [2], sizes = [1], strides = [1]} : vector<16xf32> to vector<1xf32>
    %squeeze3A_29 = vector.extract %slice3A_28[0] : f32 from vector<1xf32>
    %jit3A_30 = arith.constant 0.000000e+00 : f32
    %broadcast_in_dim3A_31 = vector.broadcast %squeeze3A_29 : f32 to vector<16xf32>
    %broadcast_in_dim3A_32 = vector.broadcast %jit3A_30 : f32 to vector<16xf32>
    %select_n3A_33 = arith.select %eq3A_27, %broadcast_in_dim3A_31, %broadcast_in_dim3A_32 : vector<16xi1>, vector<16xf32>
    %add3A_34 = arith.addf %add3A_23, %select_n3A_33 : vector<16xf32>
    %slice3A_35 = vector.extract_strided_slice %get3A_3 {offsets = [3], sizes = [1], strides = [1]} : vector<16xi32> to vector<1xi32>
    %squeeze3A_36 = vector.extract %slice3A_35[0] : i32 from vector<1xi32>
    %eq3A_37 = vector.broadcast %squeeze3A_36 : i32 to vector<16xi32>
    %eq3A_38 = arith.cmpi eq, %iota3A, %eq3A_37 : vector<16xi32>
    %slice3A_39 = vector.extract_strided_slice %get3A_5 {offsets = [3], sizes = [1], strides = [1]} : vector<16xf32> to vector<1xf32>
    %squeeze3A_40 = vector.extract %slice3A_39[0] : f32 from vector<1xf32>
    %jit3A_41 = arith.constant 0.000000e+00 : f32
    %broadcast_in_dim3A_42 = vector.broadcast %squeeze3A_40 : f32 to vector<16xf32>
    %broadcast_in_dim3A_43 = vector.broadcast %jit3A_41 : f32 to vector<16xf32>
    %select_n3A_44 = arith.select %eq3A_38, %broadcast_in_dim3A_42, %broadcast_in_dim3A_43 : vector<16xi1>, vector<16xf32>
    %add3A_45 = arith.addf %add3A_34, %select_n3A_44 : vector<16xf32>
    %slice3A_46 = vector.extract_strided_slice %get3A_3 {offsets = [4], sizes = [1], strides = [1]} : vector<16xi32> to vector<1xi32>
    %squeeze3A_47 = vector.extract %slice3A_46[0] : i32 from vector<1xi32>
    %eq3A_48 = vector.broadcast %squeeze3A_47 : i32 to vector<16xi32>
    %eq3A_49 = arith.cmpi eq, %iota3A, %eq3A_48 : vector<16xi32>
    %slice3A_50 = vector.extract_strided_slice %get3A_5 {offsets = [4], sizes = [1], strides = [1]} : vector<16xf32> to vector<1xf32>
    %squeeze3A_51 = vector.extract %slice3A_50[0] : f32 from vector<1xf32>
    %jit3A_52 = arith.constant 0.000000e+00 : f32
    %broadcast_in_dim3A_53 = vector.broadcast %squeeze3A_51 : f32 to vector<16xf32>
    %broadcast_in_dim3A_54 = vector.broadcast %jit3A_52 : f32 to vector<16xf32>
    %select_n3A_55 = arith.select %eq3A_49, %broadcast_in_dim3A_53, %broadcast_in_dim3A_54 : vector<16xi1>, vector<16xf32>
    %add3A_56 = arith.addf %add3A_45, %select_n3A_55 : vector<16xf32>
    %slice3A_57 = vector.extract_strided_slice %get3A_3 {offsets = [5], sizes = [1], strides = [1]} : vector<16xi32> to vector<1xi32>
    %squeeze3A_58 = vector.extract %slice3A_57[0] : i32 from vector<1xi32>
    %eq3A_59 = vector.broadcast %squeeze3A_58 : i32 to vector<16xi32>
    %eq3A_60 = arith.cmpi eq, %iota3A, %eq3A_59 : vector<16xi32>
    %slice3A_61 = vector.extract_strided_slice %get3A_5 {offsets = [5], sizes = [1], strides = [1]} : vector<16xf32> to vector<1xf32>
    %squeeze3A_62 = vector.extract %slice3A_61[0] : f32 from vector<1xf32>
    %jit3A_63 = arith.constant 0.000000e+00 : f32
    %broadcast_in_dim3A_64 = vector.broadcast %squeeze3A_62 : f32 to vector<16xf32>
    %broadcast_in_dim3A_65 = vector.broadcast %jit3A_63 : f32 to vector<16xf32>
    %select_n3A_66 = arith.select %eq3A_60, %broadcast_in_dim3A_64, %broadcast_in_dim3A_65 : vector<16xi1>, vector<16xf32>
    %add3A_67 = arith.addf %add3A_56, %select_n3A_66 : vector<16xf32>
    %slice3A_68 = vector.extract_strided_slice %get3A_3 {offsets = [6], sizes = [1], strides = [1]} : vector<16xi32> to vector<1xi32>
    %squeeze3A_69 = vector.extract %slice3A_68[0] : i32 from vector<1xi32>
    %eq3A_70 = vector.broadcast %squeeze3A_69 : i32 to vector<16xi32>
    %eq3A_71 = arith.cmpi eq, %iota3A, %eq3A_70 : vector<16xi32>
    %slice3A_72 = vector.extract_strided_slice %get3A_5 {offsets = [6], sizes = [1], strides = [1]} : vector<16xf32> to vector<1xf32>
    %squeeze3A_73 = vector.extract %slice3A_72[0] : f32 from vector<1xf32>
    %jit3A_74 = arith.constant 0.000000e+00 : f32
    %broadcast_in_dim3A_75 = vector.broadcast %squeeze3A_73 : f32 to vector<16xf32>
    %broadcast_in_dim3A_76 = vector.broadcast %jit3A_74 : f32 to vector<16xf32>
    %select_n3A_77 = arith.select %eq3A_71, %broadcast_in_dim3A_75, %broadcast_in_dim3A_76 : vector<16xi1>, vector<16xf32>
    %add3A_78 = arith.addf %add3A_67, %select_n3A_77 : vector<16xf32>
    %slice3A_79 = vector.extract_strided_slice %get3A_3 {offsets = [7], sizes = [1], strides = [1]} : vector<16xi32> to vector<1xi32>
    %squeeze3A_80 = vector.extract %slice3A_79[0] : i32 from vector<1xi32>
    %eq3A_81 = vector.broadcast %squeeze3A_80 : i32 to vector<16xi32>
    %eq3A_82 = arith.cmpi eq, %iota3A, %eq3A_81 : vector<16xi32>
    %slice3A_83 = vector.extract_strided_slice %get3A_5 {offsets = [7], sizes = [1], strides = [1]} : vector<16xf32> to vector<1xf32>
    %squeeze3A_84 = vector.extract %slice3A_83[0] : f32 from vector<1xf32>
    %jit3A_85 = arith.constant 0.000000e+00 : f32
    %broadcast_in_dim3A_86 = vector.broadcast %squeeze3A_84 : f32 to vector<16xf32>
    %broadcast_in_dim3A_87 = vector.broadcast %jit3A_85 : f32 to vector<16xf32>
    %select_n3A_88 = arith.select %eq3A_82, %broadcast_in_dim3A_86, %broadcast_in_dim3A_87 : vector<16xi1>, vector<16xf32>
    %add3A_89 = arith.addf %add3A_78, %select_n3A_88 : vector<16xf32>
    %slice3A_90 = vector.extract_strided_slice %get3A_3 {offsets = [8], sizes = [1], strides = [1]} : vector<16xi32> to vector<1xi32>
    %squeeze3A_91 = vector.extract %slice3A_90[0] : i32 from vector<1xi32>
    %eq3A_92 = vector.broadcast %squeeze3A_91 : i32 to vector<16xi32>
    %eq3A_93 = arith.cmpi eq, %iota3A, %eq3A_92 : vector<16xi32>
    %slice3A_94 = vector.extract_strided_slice %get3A_5 {offsets = [8], sizes = [1], strides = [1]} : vector<16xf32> to vector<1xf32>
    %squeeze3A_95 = vector.extract %slice3A_94[0] : f32 from vector<1xf32>
    %jit3A_96 = arith.constant 0.000000e+00 : f32
    %broadcast_in_dim3A_97 = vector.broadcast %squeeze3A_95 : f32 to vector<16xf32>
    %broadcast_in_dim3A_98 = vector.broadcast %jit3A_96 : f32 to vector<16xf32>
    %select_n3A_99 = arith.select %eq3A_93, %broadcast_in_dim3A_97, %broadcast_in_dim3A_98 : vector<16xi1>, vector<16xf32>
    %add3A_100 = arith.addf %add3A_89, %select_n3A_99 : vector<16xf32>
    %slice3A_101 = vector.extract_strided_slice %get3A_3 {offsets = [9], sizes = [1], strides = [1]} : vector<16xi32> to vector<1xi32>
    %squeeze3A_102 = vector.extract %slice3A_101[0] : i32 from vector<1xi32>
    %eq3A_103 = vector.broadcast %squeeze3A_102 : i32 to vector<16xi32>
    %eq3A_104 = arith.cmpi eq, %iota3A, %eq3A_103 : vector<16xi32>
    %slice3A_105 = vector.extract_strided_slice %get3A_5 {offsets = [9], sizes = [1], strides = [1]} : vector<16xf32> to vector<1xf32>
    %squeeze3A_106 = vector.extract %slice3A_105[0] : f32 from vector<1xf32>
    %jit3A_107 = arith.constant 0.000000e+00 : f32
    %broadcast_in_dim3A_108 = vector.broadcast %squeeze3A_106 : f32 to vector<16xf32>
    %broadcast_in_dim3A_109 = vector.broadcast %jit3A_107 : f32 to vector<16xf32>
    %select_n3A_110 = arith.select %eq3A_104, %broadcast_in_dim3A_108, %broadcast_in_dim3A_109 : vector<16xi1>, vector<16xf32>
    %add3A_111 = arith.addf %add3A_100, %select_n3A_110 : vector<16xf32>
    %slice3A_112 = vector.extract_strided_slice %get3A_3 {offsets = [10], sizes = [1], strides = [1]} : vector<16xi32> to vector<1xi32>
    %squeeze3A_113 = vector.extract %slice3A_112[0] : i32 from vector<1xi32>
    %eq3A_114 = vector.broadcast %squeeze3A_113 : i32 to vector<16xi32>
    %eq3A_115 = arith.cmpi eq, %iota3A, %eq3A_114 : vector<16xi32>
    %slice3A_116 = vector.extract_strided_slice %get3A_5 {offsets = [10], sizes = [1], strides = [1]} : vector<16xf32> to vector<1xf32>
    %squeeze3A_117 = vector.extract %slice3A_116[0] : f32 from vector<1xf32>
    %jit3A_118 = arith.constant 0.000000e+00 : f32
    %broadcast_in_dim3A_119 = vector.broadcast %squeeze3A_117 : f32 to vector<16xf32>
    %broadcast_in_dim3A_120 = vector.broadcast %jit3A_118 : f32 to vector<16xf32>
    %select_n3A_121 = arith.select %eq3A_115, %broadcast_in_dim3A_119, %broadcast_in_dim3A_120 : vector<16xi1>, vector<16xf32>
    %add3A_122 = arith.addf %add3A_111, %select_n3A_121 : vector<16xf32>
    %slice3A_123 = vector.extract_strided_slice %get3A_3 {offsets = [11], sizes = [1], strides = [1]} : vector<16xi32> to vector<1xi32>
    %squeeze3A_124 = vector.extract %slice3A_123[0] : i32 from vector<1xi32>
    %eq3A_125 = vector.broadcast %squeeze3A_124 : i32 to vector<16xi32>
    %eq3A_126 = arith.cmpi eq, %iota3A, %eq3A_125 : vector<16xi32>
    %slice3A_127 = vector.extract_strided_slice %get3A_5 {offsets = [11], sizes = [1], strides = [1]} : vector<16xf32> to vector<1xf32>
    %squeeze3A_128 = vector.extract %slice3A_127[0] : f32 from vector<1xf32>
    %jit3A_129 = arith.constant 0.000000e+00 : f32
    %broadcast_in_dim3A_130 = vector.broadcast %squeeze3A_128 : f32 to vector<16xf32>
    %broadcast_in_dim3A_131 = vector.broadcast %jit3A_129 : f32 to vector<16xf32>
    %select_n3A_132 = arith.select %eq3A_126, %broadcast_in_dim3A_130, %broadcast_in_dim3A_131 : vector<16xi1>, vector<16xf32>
    %add3A_133 = arith.addf %add3A_122, %select_n3A_132 : vector<16xf32>
    %slice3A_134 = vector.extract_strided_slice %get3A_3 {offsets = [12], sizes = [1], strides = [1]} : vector<16xi32> to vector<1xi32>
    %squeeze3A_135 = vector.extract %slice3A_134[0] : i32 from vector<1xi32>
    %eq3A_136 = vector.broadcast %squeeze3A_135 : i32 to vector<16xi32>
    %eq3A_137 = arith.cmpi eq, %iota3A, %eq3A_136 : vector<16xi32>
    %slice3A_138 = vector.extract_strided_slice %get3A_5 {offsets = [12], sizes = [1], strides = [1]} : vector<16xf32> to vector<1xf32>
    %squeeze3A_139 = vector.extract %slice3A_138[0] : f32 from vector<1xf32>
    %jit3A_140 = arith.constant 0.000000e+00 : f32
    %broadcast_in_dim3A_141 = vector.broadcast %squeeze3A_139 : f32 to vector<16xf32>
    %broadcast_in_dim3A_142 = vector.broadcast %jit3A_140 : f32 to vector<16xf32>
    %select_n3A_143 = arith.select %eq3A_137, %broadcast_in_dim3A_141, %broadcast_in_dim3A_142 : vector<16xi1>, vector<16xf32>
    %add3A_144 = arith.addf %add3A_133, %select_n3A_143 : vector<16xf32>
    %slice3A_145 = vector.extract_strided_slice %get3A_3 {offsets = [13], sizes = [1], strides = [1]} : vector<16xi32> to vector<1xi32>
    %squeeze3A_146 = vector.extract %slice3A_145[0] : i32 from vector<1xi32>
    %eq3A_147 = vector.broadcast %squeeze3A_146 : i32 to vector<16xi32>
    %eq3A_148 = arith.cmpi eq, %iota3A, %eq3A_147 : vector<16xi32>
    %slice3A_149 = vector.extract_strided_slice %get3A_5 {offsets = [13], sizes = [1], strides = [1]} : vector<16xf32> to vector<1xf32>
    %squeeze3A_150 = vector.extract %slice3A_149[0] : f32 from vector<1xf32>
    %jit3A_151 = arith.constant 0.000000e+00 : f32
    %broadcast_in_dim3A_152 = vector.broadcast %squeeze3A_150 : f32 to vector<16xf32>
    %broadcast_in_dim3A_153 = vector.broadcast %jit3A_151 : f32 to vector<16xf32>
    %select_n3A_154 = arith.select %eq3A_148, %broadcast_in_dim3A_152, %broadcast_in_dim3A_153 : vector<16xi1>, vector<16xf32>
    %add3A_155 = arith.addf %add3A_144, %select_n3A_154 : vector<16xf32>
    %slice3A_156 = vector.extract_strided_slice %get3A_3 {offsets = [14], sizes = [1], strides = [1]} : vector<16xi32> to vector<1xi32>
    %squeeze3A_157 = vector.extract %slice3A_156[0] : i32 from vector<1xi32>
    %eq3A_158 = vector.broadcast %squeeze3A_157 : i32 to vector<16xi32>
    %eq3A_159 = arith.cmpi eq, %iota3A, %eq3A_158 : vector<16xi32>
    %slice3A_160 = vector.extract_strided_slice %get3A_5 {offsets = [14], sizes = [1], strides = [1]} : vector<16xf32> to vector<1xf32>
    %squeeze3A_161 = vector.extract %slice3A_160[0] : f32 from vector<1xf32>
    %jit3A_162 = arith.constant 0.000000e+00 : f32
    %broadcast_in_dim3A_163 = vector.broadcast %squeeze3A_161 : f32 to vector<16xf32>
    %broadcast_in_dim3A_164 = vector.broadcast %jit3A_162 : f32 to vector<16xf32>
    %select_n3A_165 = arith.select %eq3A_159, %broadcast_in_dim3A_163, %broadcast_in_dim3A_164 : vector<16xi1>, vector<16xf32>
    %add3A_166 = arith.addf %add3A_155, %select_n3A_165 : vector<16xf32>
    %slice3A_167 = vector.extract_strided_slice %get3A_3 {offsets = [15], sizes = [1], strides = [1]} : vector<16xi32> to vector<1xi32>
    %squeeze3A_168 = vector.extract %slice3A_167[0] : i32 from vector<1xi32>
    %eq3A_169 = vector.broadcast %squeeze3A_168 : i32 to vector<16xi32>
    %eq3A_170 = arith.cmpi eq, %iota3A, %eq3A_169 : vector<16xi32>
    %slice3A_171 = vector.extract_strided_slice %get3A_5 {offsets = [15], sizes = [1], strides = [1]} : vector<16xf32> to vector<1xf32>
    %squeeze3A_172 = vector.extract %slice3A_171[0] : f32 from vector<1xf32>
    %jit3A_173 = arith.constant 0.000000e+00 : f32
    %broadcast_in_dim3A_174 = vector.broadcast %squeeze3A_172 : f32 to vector<16xf32>
    %broadcast_in_dim3A_175 = vector.broadcast %jit3A_173 : f32 to vector<16xf32>
    %select_n3A_176 = arith.select %eq3A_170, %broadcast_in_dim3A_174, %broadcast_in_dim3A_175 : vector<16xi1>, vector<16xf32>
    %add3A_177 = arith.addf %add3A_166, %select_n3A_176 : vector<16xf32>
    %slice3A_178 = vector.extract_strided_slice %add3A_177 {offsets = [0], sizes = [1], strides = [1]} : vector<16xf32> to vector<1xf32>
    %squeeze3A_179 = vector.extract %slice3A_178[0] : f32 from vector<1xf32>
    %slice3A_180 = vector.extract_strided_slice %add3A_177 {offsets = [1], sizes = [1], strides = [1]} : vector<16xf32> to vector<1xf32>
    %squeeze3A_181 = vector.extract %slice3A_180[0] : f32 from vector<1xf32>
    %slice3A_182 = vector.extract_strided_slice %add3A_177 {offsets = [2], sizes = [1], strides = [1]} : vector<16xf32> to vector<1xf32>
    %squeeze3A_183 = vector.extract %slice3A_182[0] : f32 from vector<1xf32>
    %slice3A_184 = vector.extract_strided_slice %add3A_177 {offsets = [3], sizes = [1], strides = [1]} : vector<16xf32> to vector<1xf32>
    %squeeze3A_185 = vector.extract %slice3A_184[0] : f32 from vector<1xf32>
    %slice3A_186 = vector.extract_strided_slice %add3A_177 {offsets = [4], sizes = [1], strides = [1]} : vector<16xf32> to vector<1xf32>
    %squeeze3A_187 = vector.extract %slice3A_186[0] : f32 from vector<1xf32>
    %slice3A_188 = vector.extract_strided_slice %add3A_177 {offsets = [5], sizes = [1], strides = [1]} : vector<16xf32> to vector<1xf32>
    %squeeze3A_189 = vector.extract %slice3A_188[0] : f32 from vector<1xf32>
    %slice3A_190 = vector.extract_strided_slice %add3A_177 {offsets = [6], sizes = [1], strides = [1]} : vector<16xf32> to vector<1xf32>
    %squeeze3A_191 = vector.extract %slice3A_190[0] : f32 from vector<1xf32>
    %slice3A_192 = vector.extract_strided_slice %add3A_177 {offsets = [7], sizes = [1], strides = [1]} : vector<16xf32> to vector<1xf32>
    %squeeze3A_193 = vector.extract %slice3A_192[0] : f32 from vector<1xf32>
    %slice3A_194 = vector.extract_strided_slice %add3A_177 {offsets = [8], sizes = [1], strides = [1]} : vector<16xf32> to vector<1xf32>
    %squeeze3A_195 = vector.extract %slice3A_194[0] : f32 from vector<1xf32>
    %slice3A_196 = vector.extract_strided_slice %add3A_177 {offsets = [9], sizes = [1], strides = [1]} : vector<16xf32> to vector<1xf32>
    %squeeze3A_197 = vector.extract %slice3A_196[0] : f32 from vector<1xf32>
    %slice3A_198 = vector.extract_strided_slice %add3A_177 {offsets = [10], sizes = [1], strides = [1]} : vector<16xf32> to vector<1xf32>
    %squeeze3A_199 = vector.extract %slice3A_198[0] : f32 from vector<1xf32>
    %slice3A_200 = vector.extract_strided_slice %add3A_177 {offsets = [11], sizes = [1], strides = [1]} : vector<16xf32> to vector<1xf32>
    %squeeze3A_201 = vector.extract %slice3A_200[0] : f32 from vector<1xf32>
    %slice3A_202 = vector.extract_strided_slice %add3A_177 {offsets = [12], sizes = [1], strides = [1]} : vector<16xf32> to vector<1xf32>
    %squeeze3A_203 = vector.extract %slice3A_202[0] : f32 from vector<1xf32>
    %slice3A_204 = vector.extract_strided_slice %add3A_177 {offsets = [13], sizes = [1], strides = [1]} : vector<16xf32> to vector<1xf32>
    %squeeze3A_205 = vector.extract %slice3A_204[0] : f32 from vector<1xf32>
    %slice3A_206 = vector.extract_strided_slice %add3A_177 {offsets = [14], sizes = [1], strides = [1]} : vector<16xf32> to vector<1xf32>
    %squeeze3A_207 = vector.extract %slice3A_206[0] : f32 from vector<1xf32>
    %slice3A_208 = vector.extract_strided_slice %add3A_177 {offsets = [15], sizes = [1], strides = [1]} : vector<16xf32> to vector<1xf32>
    %squeeze3A_209 = vector.extract %slice3A_208[0] : f32 from vector<1xf32>
    %broadcast_in_dim3A_210 = arith.constant 0 : i32
    %broadcast_in_dim3A_211 = vector.broadcast %broadcast_in_dim3A_210 : i32 to vector<16xi32>
    %broadcast_in_dim3A_212 = arith.constant 1 : i32
    %broadcast_in_dim3A_213 = vector.broadcast %broadcast_in_dim3A_212 : i32 to vector<16xi32>
    %broadcast_in_dim3A_214 = arith.constant 2 : i32
    %broadcast_in_dim3A_215 = vector.broadcast %broadcast_in_dim3A_214 : i32 to vector<16xi32>
    %broadcast_in_dim3A_216 = arith.constant 3 : i32
    %broadcast_in_dim3A_217 = vector.broadcast %broadcast_in_dim3A_216 : i32 to vector<16xi32>
    %broadcast_in_dim3A_218 = arith.constant 4 : i32
    %broadcast_in_dim3A_219 = vector.broadcast %broadcast_in_dim3A_218 : i32 to vector<16xi32>
    %broadcast_in_dim3A_220 = arith.constant 5 : i32
    %broadcast_in_dim3A_221 = vector.broadcast %broadcast_in_dim3A_220 : i32 to vector<16xi32>
    %broadcast_in_dim3A_222 = arith.constant 6 : i32
    %broadcast_in_dim3A_223 = vector.broadcast %broadcast_in_dim3A_222 : i32 to vector<16xi32>
    %broadcast_in_dim3A_224 = arith.constant 7 : i32
    %broadcast_in_dim3A_225 = vector.broadcast %broadcast_in_dim3A_224 : i32 to vector<16xi32>
    %broadcast_in_dim3A_226 = arith.constant 8 : i32
    %broadcast_in_dim3A_227 = vector.broadcast %broadcast_in_dim3A_226 : i32 to vector<16xi32>
    %broadcast_in_dim3A_228 = arith.constant 9 : i32
    %broadcast_in_dim3A_229 = vector.broadcast %broadcast_in_dim3A_228 : i32 to vector<16xi32>
    %broadcast_in_dim3A_230 = arith.constant 10 : i32
    %broadcast_in_dim3A_231 = vector.broadcast %broadcast_in_dim3A_230 : i32 to vector<16xi32>
    %broadcast_in_dim3A_232 = arith.constant 11 : i32
    %broadcast_in_dim3A_233 = vector.broadcast %broadcast_in_dim3A_232 : i32 to vector<16xi32>
    %broadcast_in_dim3A_234 = arith.constant 12 : i32
    %broadcast_in_dim3A_235 = vector.broadcast %broadcast_in_dim3A_234 : i32 to vector<16xi32>
    %broadcast_in_dim3A_236 = arith.constant 13 : i32
    %broadcast_in_dim3A_237 = vector.broadcast %broadcast_in_dim3A_236 : i32 to vector<16xi32>
    %broadcast_in_dim3A_238 = arith.constant 14 : i32
    %broadcast_in_dim3A_239 = vector.broadcast %broadcast_in_dim3A_238 : i32 to vector<16xi32>
    %broadcast_in_dim3A_240 = arith.constant 15 : i32
    %broadcast_in_dim3A_241 = vector.broadcast %broadcast_in_dim3A_240 : i32 to vector<16xi32>
    %scan3A = arith.constant 0 : i32
    %scan3A_242 = arith.constant 0 : i32
    %scan3A_243 = arith.constant 32 : i32
    %scan3A_244 = arith.addi %scan3A_242, %scan3A_243 : i32
    %scan3A_245 = arith.constant 1 : i32
    scf.for %scan3A_247 = %scan3A_242 to %scan3A_244 step %scan3A_245  : i32 {
      %mul3A_248 = arith.constant 16 : i32
      %mul3A_249 = arith.muli %scan3A_247, %mul3A_248 : i32
      %add3A_250 = vector.broadcast %mul3A_249 : i32 to vector<16xi32>
      %add3A_251 = arith.addi %add3A_250, %iota3A : vector<16xi32>
      %broadcast_in_dim3A_252 = arith.constant 0.000000e+00 : f32
      %broadcast_in_dim3A_253 = vector.broadcast %broadcast_in_dim3A_252 : f32 to vector<16xf32>
      %gather3A = tpu.vector_load_idx %arg6[%add3A_251, %broadcast_in_dim3A_211] : memref<512x16xf32, #tpu.memory_space<vmem>>[vector<16xi32>, vector<16xi32>], vector<16xf32>,
      %mul3A_254 = vector.broadcast %squeeze3A_179 : f32 to vector<16xf32>
      %mul3A_255 = arith.mulf %mul3A_254, %gather3A : vector<16xf32>
      %add3A_256 = arith.addf %broadcast_in_dim3A_253, %mul3A_255 : vector<16xf32>
      %gather3A_257 = tpu.vector_load_idx %arg6[%add3A_251, %broadcast_in_dim3A_213] : memref<512x16xf32, #tpu.memory_space<vmem>>[vector<16xi32>, vector<16xi32>], vector<16xf32>,
      %mul3A_258 = vector.broadcast %squeeze3A_181 : f32 to vector<16xf32>
      %mul3A_259 = arith.mulf %mul3A_258, %gather3A_257 : vector<16xf32>
      %add3A_260 = arith.addf %add3A_256, %mul3A_259 : vector<16xf32>
      %gather3A_261 = tpu.vector_load_idx %arg6[%add3A_251, %broadcast_in_dim3A_215] : memref<512x16xf32, #tpu.memory_space<vmem>>[vector<16xi32>, vector<16xi32>], vector<16xf32>,
      %mul3A_262 = vector.broadcast %squeeze3A_183 : f32 to vector<16xf32>
      %mul3A_263 = arith.mulf %mul3A_262, %gather3A_261 : vector<16xf32>
      %add3A_264 = arith.addf %add3A_260, %mul3A_263 : vector<16xf32>
      %gather3A_265 = tpu.vector_load_idx %arg6[%add3A_251, %broadcast_in_dim3A_217] : memref<512x16xf32, #tpu.memory_space<vmem>>[vector<16xi32>, vector<16xi32>], vector<16xf32>,
      %mul3A_266 = vector.broadcast %squeeze3A_185 : f32 to vector<16xf32>
      %mul3A_267 = arith.mulf %mul3A_266, %gather3A_265 : vector<16xf32>
      %add3A_268 = arith.addf %add3A_264, %mul3A_267 : vector<16xf32>
      %gather3A_269 = tpu.vector_load_idx %arg6[%add3A_251, %broadcast_in_dim3A_219] : memref<512x16xf32, #tpu.memory_space<vmem>>[vector<16xi32>, vector<16xi32>], vector<16xf32>,
      %mul3A_270 = vector.broadcast %squeeze3A_187 : f32 to vector<16xf32>
      %mul3A_271 = arith.mulf %mul3A_270, %gather3A_269 : vector<16xf32>
      %add3A_272 = arith.addf %add3A_268, %mul3A_271 : vector<16xf32>
      %gather3A_273 = tpu.vector_load_idx %arg6[%add3A_251, %broadcast_in_dim3A_221] : memref<512x16xf32, #tpu.memory_space<vmem>>[vector<16xi32>, vector<16xi32>], vector<16xf32>,
      %mul3A_274 = vector.broadcast %squeeze3A_189 : f32 to vector<16xf32>
      %mul3A_275 = arith.mulf %mul3A_274, %gather3A_273 : vector<16xf32>
      %add3A_276 = arith.addf %add3A_272, %mul3A_275 : vector<16xf32>
      %gather3A_277 = tpu.vector_load_idx %arg6[%add3A_251, %broadcast_in_dim3A_223] : memref<512x16xf32, #tpu.memory_space<vmem>>[vector<16xi32>, vector<16xi32>], vector<16xf32>,
      %mul3A_278 = vector.broadcast %squeeze3A_191 : f32 to vector<16xf32>
      %mul3A_279 = arith.mulf %mul3A_278, %gather3A_277 : vector<16xf32>
      %add3A_280 = arith.addf %add3A_276, %mul3A_279 : vector<16xf32>
      %gather3A_281 = tpu.vector_load_idx %arg6[%add3A_251, %broadcast_in_dim3A_225] : memref<512x16xf32, #tpu.memory_space<vmem>>[vector<16xi32>, vector<16xi32>], vector<16xf32>,
      %mul3A_282 = vector.broadcast %squeeze3A_193 : f32 to vector<16xf32>
      %mul3A_283 = arith.mulf %mul3A_282, %gather3A_281 : vector<16xf32>
      %add3A_284 = arith.addf %add3A_280, %mul3A_283 : vector<16xf32>
      %gather3A_285 = tpu.vector_load_idx %arg6[%add3A_251, %broadcast_in_dim3A_227] : memref<512x16xf32, #tpu.memory_space<vmem>>[vector<16xi32>, vector<16xi32>], vector<16xf32>,
      %mul3A_286 = vector.broadcast %squeeze3A_195 : f32 to vector<16xf32>
      %mul3A_287 = arith.mulf %mul3A_286, %gather3A_285 : vector<16xf32>
      %add3A_288 = arith.addf %add3A_284, %mul3A_287 : vector<16xf32>
      %gather3A_289 = tpu.vector_load_idx %arg6[%add3A_251, %broadcast_in_dim3A_229] : memref<512x16xf32, #tpu.memory_space<vmem>>[vector<16xi32>, vector<16xi32>], vector<16xf32>,
      %mul3A_290 = vector.broadcast %squeeze3A_197 : f32 to vector<16xf32>
      %mul3A_291 = arith.mulf %mul3A_290, %gather3A_289 : vector<16xf32>
      %add3A_292 = arith.addf %add3A_288, %mul3A_291 : vector<16xf32>
      %gather3A_293 = tpu.vector_load_idx %arg6[%add3A_251, %broadcast_in_dim3A_231] : memref<512x16xf32, #tpu.memory_space<vmem>>[vector<16xi32>, vector<16xi32>], vector<16xf32>,
      %mul3A_294 = vector.broadcast %squeeze3A_199 : f32 to vector<16xf32>
      %mul3A_295 = arith.mulf %mul3A_294, %gather3A_293 : vector<16xf32>
      %add3A_296 = arith.addf %add3A_292, %mul3A_295 : vector<16xf32>
      %gather3A_297 = tpu.vector_load_idx %arg6[%add3A_251, %broadcast_in_dim3A_233] : memref<512x16xf32, #tpu.memory_space<vmem>>[vector<16xi32>, vector<16xi32>], vector<16xf32>,
      %mul3A_298 = vector.broadcast %squeeze3A_201 : f32 to vector<16xf32>
      %mul3A_299 = arith.mulf %mul3A_298, %gather3A_297 : vector<16xf32>
      %add3A_300 = arith.addf %add3A_296, %mul3A_299 : vector<16xf32>
      %gather3A_301 = tpu.vector_load_idx %arg6[%add3A_251, %broadcast_in_dim3A_235] : memref<512x16xf32, #tpu.memory_space<vmem>>[vector<16xi32>, vector<16xi32>], vector<16xf32>,
      %mul3A_302 = vector.broadcast %squeeze3A_203 : f32 to vector<16xf32>
      %mul3A_303 = arith.mulf %mul3A_302, %gather3A_301 : vector<16xf32>
      %add3A_304 = arith.addf %add3A_300, %mul3A_303 : vector<16xf32>
      %gather3A_305 = tpu.vector_load_idx %arg6[%add3A_251, %broadcast_in_dim3A_237] : memref<512x16xf32, #tpu.memory_space<vmem>>[vector<16xi32>, vector<16xi32>], vector<16xf32>,
      %mul3A_306 = vector.broadcast %squeeze3A_205 : f32 to vector<16xf32>
      %mul3A_307 = arith.mulf %mul3A_306, %gather3A_305 : vector<16xf32>
      %add3A_308 = arith.addf %add3A_304, %mul3A_307 : vector<16xf32>
      %gather3A_309 = tpu.vector_load_idx %arg6[%add3A_251, %broadcast_in_dim3A_239] : memref<512x16xf32, #tpu.memory_space<vmem>>[vector<16xi32>, vector<16xi32>], vector<16xf32>,
      %mul3A_310 = vector.broadcast %squeeze3A_207 : f32 to vector<16xf32>
      %mul3A_311 = arith.mulf %mul3A_310, %gather3A_309 : vector<16xf32>
      %add3A_312 = arith.addf %add3A_308, %mul3A_311 : vector<16xf32>
      %gather3A_313 = tpu.vector_load_idx %arg6[%add3A_251, %broadcast_in_dim3A_241] : memref<512x16xf32, #tpu.memory_space<vmem>>[vector<16xi32>, vector<16xi32>], vector<16xf32>,
      %mul3A_314 = vector.broadcast %squeeze3A_209 : f32 to vector<16xf32>
      %mul3A_315 = arith.mulf %mul3A_314, %gather3A_313 : vector<16xf32>
      %add3A_316 = arith.addf %add3A_312, %mul3A_315 : vector<16xf32>
      %neg3A = arith.constant 0.000000e+00 : f32
      %neg3A_317 = vector.broadcast %neg3A : f32 to vector<16xf32>
      %neg3A_318 = arith.subf %neg3A_317, %add3A_316 : vector<16xf32>
      %exp3A = math.exp %neg3A_318 : vector<16xf32>
      %add3A_319 = arith.constant 1.000000e+00 : f32
      %add3A_320 = vector.broadcast %add3A_319 : f32 to vector<16xf32>
      %add3A_321 = arith.addf %add3A_320, %exp3A : vector<16xf32>
      %div3A = arith.constant 1.900000e+00 : f32
      %div3A_322 = vector.broadcast %div3A : f32 to vector<16xf32>
      %div3A_323 = arith.divf %div3A_322, %add3A_321 : vector<16xf32>
      %add3A_324 = arith.constant 1.000000e-01 : f32
      %add3A_325 = vector.broadcast %add3A_324 : f32 to vector<16xf32>
      %add3A_326 = arith.addf %add3A_325, %div3A_323 : vector<16xf32>
      %mul3A_327 = arith.constant 16 : i32
      %mul3A_328 = arith.muli %scan3A_247, %mul3A_327 : i32
      %swap3A = arith.index_cast %mul3A_328 : i32 to index
      %swap3A_329 = tpu.vector_load %arg9[%swap3A] {strides = array<i32>} : memref<512xf32, #tpu.memory_space<vmem>>, vector<16xf32>,
      tpu.vector_store %arg9[%swap3A], %add3A_326 {strides = array<i32>} : memref<512xf32, #tpu.memory_space<vmem>>, vector<16xf32>,
    }
    %scan3A_246 = arith.constant 32 : i32
    "tpu.region"() ({
      %run_scoped3A = tpu.sem_alloc : memref<!tpu.dma_semaphore, #tpu.memory_space<semaphore_mem>>
      %dma_start3A = tpu.memref_slice %arg5[%mul3A_2] : memref<16384xf32, #tpu.memory_space<hbm>> -> memref<512xf32, #tpu.memory_space<hbm>>
      %dma_start3A_247 = tpu.memref_slice %arg5[%mul3A_2] : memref<16384xf32, #tpu.memory_space<hbm>> -> memref<512xf32, #tpu.memory_space<hbm>>
      tpu.enqueue_dma source(%arg9 : memref<512xf32, #tpu.memory_space<vmem>>) target(%dma_start3A_247 : memref<512xf32, #tpu.memory_space<hbm>>) target_semaphore(%run_scoped3A : memref<!tpu.dma_semaphore, #tpu.memory_space<semaphore_mem>>)
      %dma_wait3A = tpu.memref_slice %arg5[%mul3A_2] : memref<16384xf32, #tpu.memory_space<hbm>> -> memref<512xf32, #tpu.memory_space<hbm>>
      %dma_wait3A_248 = tpu.memref_slice %arg5[%mul3A_2] : memref<16384xf32, #tpu.memory_space<hbm>> -> memref<512xf32, #tpu.memory_space<hbm>>
      tpu.wait_dma2 semaphore(%run_scoped3A : memref<!tpu.dma_semaphore, #tpu.memory_space<semaphore_mem>>) src(%arg9 : memref<512xf32, #tpu.memory_space<vmem>>) dst(%dma_wait3A_248 : memref<512xf32, #tpu.memory_space<hbm>>)
      tpu.yield
    }) : () -> ()
    return
  }
}

module attributes {stable_mosaic.version = 14 : i64} {
  func.func @_mul_body(%arg0: i32, %arg1: memref<2048x128xf32, #tpu.memory_space<vmem>>, %arg2: memref<2048x1xf32, #tpu.memory_space<vmem>>, %arg3: memref<2048x128xf32, #tpu.memory_space<vmem>>) attributes {dimension_semantics = [#tpu.dimension_semantics<arbitrary>], iteration_bounds = array<i64: 8>, scalar_prefetch = 0 : i64, scratch_operands = 0 : i64, tpu.core_type = #tpu.core_type<tc>, window_params = [{transform_indices = @transform_0, window_bounds = array<i64: 2048, 128>}, {transform_indices = @transform_1, window_bounds = array<i64: 2048, 1>}, {transform_indices = @transform_2, window_bounds = array<i64: 2048, 128>}]} {
    %get3A = arith.constant 0 : index
    %get3A_0 = arith.constant 0 : index
    %get3A_1 = vector.load %arg1[%get3A, %get3A_0] : memref<2048x128xf32, #tpu.memory_space<vmem>>, vector<2048x128xf32>
    %get3A_2 = arith.constant 0 : index
    %get3A_3 = arith.constant 0 : index
    %get3A_4 = vector.load %arg2[%get3A_2, %get3A_3] : memref<2048x1xf32, #tpu.memory_space<vmem>>, vector<2048x1xf32>
    %mul3A = vector.broadcast %get3A_4 : vector<2048x1xf32> to vector<2048x128xf32>
    %mul3A_5 = arith.mulf %get3A_1, %mul3A : vector<2048x128xf32>
    %swap3A = arith.constant 0 : index
    %swap3A_6 = arith.constant 0 : index
    %swap3A_7 = vector.load %arg3[%swap3A, %swap3A_6] : memref<2048x128xf32, #tpu.memory_space<vmem>>, vector<2048x128xf32>
    tpu.vector_store %arg3[%swap3A, %swap3A_6], %mul3A_5 {strides = array<i32>} : memref<2048x128xf32, #tpu.memory_space<vmem>>, vector<2048x128xf32>,
    return
  }
  func.func @transform_0(%arg0: i32) -> (i32, i32) {
    %c0_i32 = arith.constant 0 : i32
    %c0_i32_0 = arith.constant 0 : i32
    return %arg0, %c0_i32 : i32, i32
  }
  func.func @transform_1(%arg0: i32) -> (i32, i32) {
    %c0_i32 = arith.constant 0 : i32
    %c0_i32_0 = arith.constant 0 : i32
    return %arg0, %c0_i32 : i32, i32
  }
  func.func @transform_2(%arg0: i32) -> (i32, i32) {
    %c0_i32 = arith.constant 0 : i32
    %c0_i32_0 = arith.constant 0 : i32
    return %arg0, %c0_i32 : i32, i32
  }
}

</mosaic_0001>

<sc_bundles>
// kernel: kernel.4.cloned.1.call-start
scs
__scs_entry_jumppad:
0x0: {  	(pc) =	sbr.rel $0x88, $3  }
0x1: {  	(tag) =	ssettag $0x0;
	lr =	simm.s32 $0x1  }
0x2: {  	[smem:$0x3F9D] =	sst lr;
	_ =	strace $0xD0000000  }
0x3: {  	_ = 	snop  }
0x4: {  	_ = 	snop  }
0x5: {  	_ = 	snop  }
0x6: {  	_ = 	snop  }
0x7: {  	_ = 	snop  }
__scs_overlays_trampoline_lowered:
0x8: {  	[smem:$0x3FAC] =	sst s0  }
0x9: {  	[smem:$0x3FAD] =	sst s1  }
0xa: {  	[smem:$0x3FAE] =	sst s2  }
0xb: {  	[smem:$0x3FAF] =	sst s3  }
0xc: {  	[smem:$0x3FB0] =	sst s4  }
0xd: {  	[smem:$0x3FB1] =	sst s5  }
0xe: {  	[smem:$0x3FB2] =	sst s6  }
0xf: {  	[smem:$0x3FB3] =	sst s7  }
0x10: {  	[smem:$0x3FB4] =	sst s8  }
0x11: {  	[smem:$0x3FB5] =	sst s9;
	s0 =	simm.s32 @!p0 $0x0  }
0x12: {  	s1 =	sld [smem:$0x3F9B];
	s0 =	simm.s32 @p0 $0x1  }
0x13: {  	[smem:$0x3FB6] =	sst s0;
	s0 =	simm.s32 @!p1 $0x0  }
0x14: {  	s2 =	sld [smem:$0x3F9A];
	s0 =	simm.s32 @p1 $0x1  }
0x15: {  	[smem:$0x3FB7] =	sst s0;
	s0 =	simm.s32 @!p2 $0x0  }
0x16: {  	s3 =	sld [smem:$0x3FDB];
	s0 =	simm.s32 @p2 $0x1  }
0x17: {  	s4 =	simm.s32 $0x1BF5;
	[smem:$0x3FB9] =	sst s0  }
0x18: {  	s0 =	sld [smem:$0x3F9C];
	_ =	swait.ge [sflag:s4], $0x0  }
0x19: {  	s7 =	sld [smem:$0x3F9D]  }
0x1a: {  	s8 =	sadd.s32 $0xFFFFE003, lr  }
0x1b: {  	s9 =	sadd.s32 $0xFFFFFEF7, lr;
	s5 =	simm.s32 $0xFFFFFFFF;
	p2 =	slt.u32 s8, $0xFFFFF086  }
0x1c: {  	p1 =	slt.u32 s9, $0xF7A;
	s5 =	simm.s32 @!p2 $0x0  }
0x1d: {  	s5 =	simm.s32 @p1 $0x1;
	p0 =	seq.s32 s7, s2  }
0x1e: {  	s7 =	smul.u32 @!p0 $0xF7A, s2;
	p2 =	seq.s32 @!p0 s5, $0x0  }
0x1f: {  	s9 =	smul.u32 $0xF7A, s1;
	s8 =	simm.s32 @!p0 $0x1BF5;
	p2 =	por !p2, p0  }
0x20: {  	[sflag:s8] =	ssyncset.s32 @!p0 $0xFFFFF086;
	s6 =	sadd.s32 @!p0 s3, s7;
	s7 =	simm.s32 @!p0 $0x108  }
0x21: {  	s3 =	sadd.s32 s3, s9;
	s6 =	sadd.s32 @!p0 $0x88, s6;
	s7 =	simm.s32 @p2 $0x1082  }
0x22: {  	[simem:s7], [sflag:s8] =	dma.local @!p0 [hbm:s6], $0xF7A  }
0x23: {  	s9 =	sor.u32 $0xD0000000, s2;
	s6 =	simm.s32 $0x108;
	_ =	swait.ge @!p0 [sflag:s8], $0x0  }
0x24: {  	s3 =	sadd.s32 $0x88, s3;
	s6 =	simm.s32 @!p1 $0x1082;
	[sflag:s4] =	ssyncset.s32 $0xFFFFF086  }
0x25: {  	[simem:s6], [sflag:s4] =	dma.local [hbm:s3], $0xF7A  }
0x26: {  	[smem:$0x3F9D] =	sst s1;
	(tag) =	ssettag s2;
	_ =	strace s9  }
0x27: {  	s1 =	sld [smem:$0x3FAD]  }
0x28: {  	s2 =	sld [smem:$0x3FAE]  }
0x29: {  	s4 =	sld [smem:$0x3FB0]  }
0x2a: {  	p0 =	seq.s32 s5, $0x0;
	s5 =	sld [smem:$0x3FB1]  }
0x2b: {  	s6 =	sld [smem:$0x3FB2]  }
0x2c: {  	s7 =	sld [smem:$0x3FB3]  }
0x2d: {  	s3 =	simm.s32 $0x108;
	s8 =	sld [smem:$0x3FB4]  }
0x2e: {  	s3 =	simm.s32 @!p0 $0x1082;
	s9 =	sld [smem:$0x3FB5]  }
0x2f: {  	lr =	sadd.s32 s0, s3;
	s0 =	sld [smem:$0x3FAC]  }
0x30: {  	s3 =	sld [smem:$0x3FAF]  }
0x31: {  	[smem:$0x3FB8] =	sst s10  }
0x32: {  	s10 =	sld [smem:$0x3FB6];
	_ =	sdelay $0x3  }
0x33: {  	p0 =	seq.s32 s10, $0x1;
	s10 =	sld [smem:$0x3FB8];
	_ =	sdelay $0x3  }
0x34: {  	[smem:$0x3FB8] =	sst s10  }
0x35: {  	s10 =	sld [smem:$0x3FB7];
	_ =	sdelay $0x3  }
0x36: {  	p1 =	seq.s32 s10, $0x1;
	s10 =	sld [smem:$0x3FB8];
	_ =	sdelay $0x3  }
0x37: {  	[smem:$0x3FB8] =	sst s10  }
0x38: {  	s10 =	sld [smem:$0x3FB9]  }
0x39: {  	_ = 	snop;
	(pc) =	sbr.ind lr, $3  }
0x3a: {  	_ = 	snop  }
0x3b: {  	_ = 	snop  }
0x3c: {  	p2 =	seq.s32 s10, $0x1;
	s10 =	sld [smem:$0x3FB8]  }
0x3d: {  	_ =	shalt  }
0x3e: {  	_ =	shalt  }
0x3f: {  	_ =	shalt  }
0x40: {  	_ =	shalt  }
0x41: {  	_ =	shalt  }
0x42: {  	_ =	shalt  }
0x43: {  	_ =	shalt  }
0x44: {  	_ =	shalt  }
0x45: {  	_ =	shalt  }
0x46: {  	_ =	shalt  }
0x47: {  	_ =	shalt  }
0x48: {  	_ =	shalt  }
0x49: {  	_ =	shalt  }
0x4a: {  	_ =	shalt  }
0x4b: {  	_ =	shalt  }
0x4c: {  	_ =	shalt  }
0x4d: {  	_ =	shalt  }
0x4e: {  	_ =	shalt  }
0x4f: {  	_ =	shalt  }
0x50: {  	_ =	shalt  }
0x51: {  	_ =	shalt  }
0x52: {  	_ =	shalt  }
0x53: {  	_ =	shalt  }
0x54: {  	_ =	shalt  }
0x55: {  	_ =	shalt  }
0x56: {  	_ =	shalt  }
0x57: {  	_ =	shalt  }
0x58: {  	_ =	shalt  }
0x59: {  	_ =	shalt  }
0x5a: {  	_ =	shalt  }
0x5b: {  	_ =	shalt  }
0x5c: {  	_ =	shalt  }
0x5d: {  	_ =	shalt  }
0x5e: {  	_ =	shalt  }
0x5f: {  	_ =	shalt  }
0x60: {  	_ =	shalt  }
0x61: {  	_ =	shalt  }
0x62: {  	_ =	shalt  }
0x63: {  	_ =	shalt  }
0x64: {  	_ =	shalt  }
0x65: {  	_ =	shalt  }
0x66: {  	_ =	shalt  }
0x67: {  	_ =	shalt  }
0x68: {  	_ =	shalt  }
0x69: {  	_ =	shalt  }
0x6a: {  	_ =	shalt  }
0x6b: {  	_ =	shalt  }
0x6c: {  	_ =	shalt  }
0x6d: {  	_ =	shalt  }
0x6e: {  	_ =	shalt  }
0x6f: {  	_ =	shalt  }
0x70: {  	_ =	shalt  }
0x71: {  	_ =	shalt  }
0x72: {  	_ =	shalt  }
0x73: {  	_ =	shalt  }
0x74: {  	_ =	shalt  }
0x75: {  	_ =	shalt  }
0x76: {  	_ =	shalt  }
0x77: {  	_ =	shalt  }
0x78: {  	_ =	shalt  }
0x79: {  	_ =	shalt  }
0x7a: {  	_ =	shalt  }
0x7b: {  	_ =	shalt  }
0x7c: {  	_ =	shalt  }
0x7d: {  	_ =	shalt  }
0x7e: {  	_ =	shalt  }
0x7f: {  	_ =	shalt  }
0x80: {  	_ =	shalt  }
0x81: {  	_ =	shalt  }
0x82: {  	_ =	shalt  }
0x83: {  	_ =	shalt  }
0x84: {  	_ =	shalt  }
0x85: {  	_ =	shalt  }
0x86: {  	_ =	shalt  }
0x87: {  	_ =	shalt  }
.Lfunc_end0:
.L_simem_size_0:
called_computation_lowered:
.L_overlay_start_0:
0x88: {  	s2 =	sld [smem:$0x3FD9]  }
0x89: {  	s3 =	sld [smem:$0x3FFE];
	_ =	sdelay $0x1  }
0x8a: {  	s1 =	srdreg.scid  }
0x8b: {  	s0 =	sand.u32 $0x1, s1  }
0x8c: {  	s17 =	sshll.u32 s0, $0xA;
	s2 =	sadd.s32 s3, s2  }
0x8d: {  	s2 =	sadd.s32 s2, s17  }
0x8e: {  	[smem:$0x3FC4] =	sst s2  }
0x8f: {  	_ = 	snop  }
0x90: {  	s2 =	sld [smem:$0x3FC7]  }
0x91: {  	s18 =	sld [smem:$0x3FC6]  }
0x92: {  	s4 =	sld [smem:$0x3FD0];
	(tm) =	ssettm $0x1  }
0x93: {  	s5 =	sld [smem:$0x3FFB];
	_ =	sdelay $0x3  }
0x94: {  	_ =	strace s5  }
0x95: {  	s5 =	sld [smem:$0x3FFC];
	_ =	sdelay $0x3  }
0x96: {  	_ =	strace s5  }
0x97: {  	s5 =	sld [smem:$0x3FFD];
	_ =	sdelay $0x3  }
0x98: {  	_ =	strace s5  }
0x99: {  	_ =	strace $0x8FFFFFFF  }
0x9a: {  	s19 =	sld [smem:$0x3FDB];
	_ =	sdelay $0x1  }
0x9b: {  	s6 =	simm.s32 $_scs_section_size  }
0x9c: {  	s7 =	simm.s32 $_size__tile_overlayer_lowered;
	s8 =	simm.s32 $_tile_overlayer_lowered  }
0x9d: {  	s22 =	simm.s32 $0x1BFF;
	s21 =	sshll.u32 s8, $0x1;
	s5 =	sadd.s32 s6, s19  }
0x9e: {  	s9 =	simm.s32 $0x0;
	s20 =	sshll.u32 s7, $0x1;
	s7 =	sadd.s32 s21, s5  }
0x9f: {  	[timem:s9], [sflag:s22] =	dma.local [hbm:s7], s20  }
0xa0: {  	_ =	swait.ge [sflag:s22], s20  }
0xa1: {  	s6 =	ssub.s32 $0x0, s20;
	[sflag:s22] =	ssyncset.done $0x0  }
0xa2: {  	[sflag:s22] =	ssyncadd.s32 s6;
	_ =	sdelay $0x1  }
0xa3: {  	s23 =	simm.s32 $0x1B8B  }
0xa4: {  	_ =	swait.ge [sflag:s23], $0x1  }
0xa5: {  	[sflag:s23] =	ssyncset.done $0x0  }
0xa6: {  	s25 =	simm.s32 $0x1B8E;
	s24 =	sld [smem:$0x3FFE];
	[sflag:s23] =	ssyncadd.s32 $0xFFFFFFFF  }
0xa7: {  	s26 =	simm.s32 $execute0_lowered;
	[smem:$0x3FD2] =	sst s25  }
0xa8: {  	s7 =	sshll.u32 s26, $0x1;
	_ =	strace $0x80000046;
	[dreg:$0x1] =	wrdreg $0xFFFFFFFF  }
0xa9: {  	s28 =	simm.s32 $_size_execute0_lowered;
	s5 =	sadd.s32 s5, s7;
	[dreg:$0x0] =	wrdreg $0x0  }
0xaa: {  	s7 =	sshll.u32 s28, $0x1;
	[dreg:$0x2] =	wrdreg s5  }
0xab: {  	[dreg:$0x3] =	wrdreg s7  }
0xac: {  	[dreg:$0x4] =	wrdreg $0xC0  }
0xad: {  	_ =	task [dreg:s9], $0x5FFFF  }
0xae: {  	[dreg:$0x1] =	wrdreg $0xFFFFFFFF  }
0xaf: {  	[dreg:$0x0] =	wrdreg $0x60  }
0xb0: {  	[dreg:$0x2] =	wrdreg s4  }
0xb1: {  	[dreg:$0x3] =	wrdreg s2  }
0xb2: {  	[dreg:$0x4] =	wrdreg s18  }
0xb3: {  	[dreg:$0x5] =	wrdreg s24  }
0xb4: {  	[dreg:$0x6] =	wrdreg $0x9  }
0xb5: {  	_ =	task.clear_ibuf [dreg:s9], $0x7FFFF;
	_ =	strace $0x90000046  }
0xb6: {  	s29 =	simm.s32 $0x9;
	_ =	strace $0x80000048  }
0xb7: {  	_ =	swait.ge [sflag:s29], $0x1  }
0xb8: {  	[sflag:s29] =	ssyncadd.s32 $0xFFFFFFFF  }
0xb9: {  	_ =	strace $0x90000048  }
0xba: {  	_ =	sfence  }
0xbb: {  	s30 =	sld [smem:$0x0];
	_ =	sdelay $0x2  }
0xbc: {  	s31 =	sshll.u32 s1, $0xD;
	s1 =	sshrl.u32 s1, $0x2  }
0xbd: {  	s3 =	sand.u32 $0x4000, s31;
	s1 =	sadd.s32 s1, s30  }
0xbe: {  	s0 =	sor.u32 s3, s0;
	s1 =	sshll.u32 s1, $0x11  }
0xbf: {  	s0 =	sor.u32 s1, s0  }
0xc0: {  	s0 =	sadd.s32 $0x8F2B, s0  }
0xc1: {  	[sflag:s0] =	ssyncadd.remote.s32 $0x1  }
0xc2: {  	_ =	sfence.sel $0xFFFF  }
0xc3: {  	[dreg:$0x0] =	wrdreg $0xFFFFFFFF;
	(pc) =	sbr.abs _section_cstart, $3  }
0xc4: {  	[dreg:$0x1] =	wrdreg $0xFFFFFFFF  }
0xc5: {  	_ =	task.clear_ibuf [dreg:s9], $0x2FFFF;
	_ =	strace $0x9FFFFFFF  }
0xc6: {  	(tm) =	ssettm $0x7FFFFFFF  }
0xc7: {  	_ =	shalt  }
tec
execute0_lowered:
.L_overlay_start_1:
0x0: {  	(tag) =	ssettag $0x1  }
0x1: {  	s5 =	rddreg [dreg:$0x0]  }
0x2: {  	s1 =	rddreg [dreg:$0x1]  }
0x3: {  	s3 =	rddreg [dreg:$0x2]  }
0x4: {  	s6 =	rddreg [dreg:$0x3];
	s4 =	srdreg.scid  }
0x5: {  	s0 =	rddreg [dreg:$0x4];
	s2 =	stileid.u32  }
0x6: {  	s10 =	simm.s32 $0x10080;
	s11 =	simm.s32 $0x10100;
	s12 =	simm.s32 $0x0  }
0x7: {  	s7 =	sand.u32 $0x1, s4;
	s4 =	simm.s32 $0x0;
	s8 =	sshll.u32 s2, $0xA  }
0x8: {  	s9 =	sshll.u32 s7, $0x9;
	[smem:$0x7FF] =	sst s4;
	s7 =	ssub.s32 $0x2, s7  }
0x9: {  	s8 =	sor.u32 s9, s8;
	_ =	strace $0x80000047;
	s31 =	sshrl.u32 s7, $0x1  }
0xa: {  	s9 =	sshrl.u32 s8, $0x3;
	s8 =	sshll.u32 s8, $0x4;
	s7 =	ssub.s32 s7, s31  }
0xb: {  	v0 =	vlaneseq.u32;
	s6 =	sadd.s32 s9, s6;
	s5 =	sadd.s32 s5, s8;
	s7 =	smax.u32 s7, $0x1  }
0xc: {  	v1 =	vmul.u32 $0x80, v0;
	s8 =	simm.s32 $0x1;
	s9 =	simm.s32 $0x10000;
	s6 =	sadd.s32 $0xC00, s6  }
.LBB2_1:
0xd: {  	[tilespmem:s4], [sflag:$0x1] =	stream.linear.gather [hbm4b:s5+s4], $0x10000, $0x38;
	[tilespmem:$0x10300] =	vst v63  }
0xe: {  	_ =	swait.ge [sflag:s8], $0x10000  }
0xf: {  	[sflag:s8] =	ssyncset.done $0x0  }
0x10: {  	[sflag:s8] =	ssyncadd.s32 $0xFFFF0000  }
0x11: {  	[tilespmem:s9], [sflag:$0x1] =	stream.linear.gather [hbm4b:s1+s4], $0x80, $0x38;
	[tilespmem:$0x10300] =	vst v63  }
0x12: {  	_ =	swait.ge [sflag:s8], $0x80  }
0x13: {  	[sflag:s8] =	ssyncset.done $0x0  }
0x14: {  	[sflag:s8] =	ssyncadd.s32 $0xFFFFFF80  }
0x15: {  	[tilespmem:s10], [sflag:$0x1] =	stream.linear.gather [hbm4b:s3+s4], $0x80, $0x38;
	[tilespmem:$0x10300] =	vst v63  }
0x16: {  	_ =	swait.ge [sflag:s8], $0x80  }
0x17: {  	[sflag:s8] =	ssyncset.done $0x0  }
0x18: {  	[sflag:s8] =	ssyncadd.s32 $0xFFFFFF80  }
0x19: {  	v2 =	vld [tilespmem:$0x10000]  }
0x1a: {  	v3 =	vld [tilespmem:$0x10080];
	_ =	sdelay $0x3  }
0x1b: {  	v4 =	vadd.f32 $0.0e+00, v2  }
0x1c: {  	v5 =	vbroadcast v3, $0x0;
	v6 =	vbroadcast v3, $0x1  }
0x1d: {  	v7 =	vbroadcast v2, $0x1;
	v4 =	vbroadcast v4, $0x0  }
0x1e: {  	vm0 =	veq.s32 v5, v0;
	vm1 =	veq.s32 v6, v0;
	v5 =	vbroadcast v3, $0x2  }
0x1f: {  	v6 =	vnsel vm1, $0x0, v7;
	v7 =	vbroadcast v2, $0x2;
	v4 =	vnsel vm0, $0x0, v4  }
0x20: {  	vm14 =	veq.s32 v5, v0;
	v5 =	vbroadcast v3, $0x3;
	v4 =	vadd.f32 v4, v6  }
0x21: {  	v6 =	vnsel vm14, $0x0, v7;
	v7 =	vbroadcast v2, $0x3  }
0x22: {  	vm15 =	veq.s32 v5, v0;
	v5 =	vbroadcast v3, $0x4;
	v4 =	vadd.f32 v4, v6  }
0x23: {  	v6 =	vnsel vm15, $0x0, v7;
	v7 =	vbroadcast v2, $0x4  }
0x24: {  	vm4 =	veq.s32 v5, v0;
	v5 =	vbroadcast v3, $0x5;
	v4 =	vadd.f32 v4, v6  }
0x25: {  	v6 =	vnsel vm4, $0x0, v7;
	v7 =	vbroadcast v2, $0x5  }
0x26: {  	vm5 =	veq.s32 v5, v0;
	v5 =	vbroadcast v3, $0x6;
	v4 =	vadd.f32 v4, v6  }
0x27: {  	v6 =	vnsel vm5, $0x0, v7;
	v7 =	vbroadcast v2, $0x6  }
0x28: {  	vm6 =	veq.s32 v5, v0;
	v5 =	vbroadcast v3, $0x7;
	v4 =	vadd.f32 v4, v6  }
0x29: {  	v6 =	vnsel vm6, $0x0, v7;
	v7 =	vbroadcast v2, $0x7  }
0x2a: {  	vm7 =	veq.s32 v5, v0;
	v5 =	vbroadcast v3, $0x8;
	v4 =	vadd.f32 v4, v6  }
0x2b: {  	v6 =	vnsel vm7, $0x0, v7;
	v7 =	vbroadcast v2, $0x8  }
0x2c: {  	vm8 =	veq.s32 v5, v0;
	v5 =	vbroadcast v3, $0x9;
	v4 =	vadd.f32 v4, v6  }
0x2d: {  	v6 =	vnsel vm8, $0x0, v7;
	v7 =	vbroadcast v2, $0x9  }
0x2e: {  	vm9 =	veq.s32 v5, v0;
	v5 =	vbroadcast v3, $0xA;
	v4 =	vadd.f32 v4, v6  }
0x2f: {  	v6 =	vnsel vm9, $0x0, v7;
	v7 =	vbroadcast v2, $0xA  }
0x30: {  	vm10 =	veq.s32 v5, v0;
	v5 =	vbroadcast v3, $0xB;
	v4 =	vadd.f32 v4, v6  }
0x31: {  	v6 =	vnsel vm10, $0x0, v7;
	v7 =	vbroadcast v2, $0xB  }
0x32: {  	vm11 =	veq.s32 v5, v0;
	v5 =	vbroadcast v3, $0xC;
	v4 =	vadd.f32 v4, v6  }
0x33: {  	v6 =	vnsel vm11, $0x0, v7;
	v7 =	vbroadcast v2, $0xC  }
0x34: {  	vm12 =	veq.s32 v5, v0;
	v5 =	vbroadcast v3, $0xD;
	v4 =	vadd.f32 v4, v6  }
0x35: {  	v8 =	vmov s4;
	v6 =	vnsel vm12, $0x0, v7;
	v7 =	vbroadcast v2, $0xD  }
0x36: {  	vm13 =	veq.s32 v5, v0;
	v5 =	vshll.u32 v8, $0x7;
	v4 =	vadd.f32 v4, v6  }
0x37: {  	v6 =	vnsel vm13, $0x0, v7;
	v7 =	vbroadcast v3, $0xE;
	v14 =	vor.u32 v1, v5  }
0x38: {  	v5 =	vbroadcast v2, $0xE;
	v3 =	vbroadcast v3, $0xF  }
0x39: {  	v4 =	vadd.f32 v4, v6;
	vm14 =	veq.s32 v7, v0;
	v6 =	vor.u32 $0x1, v14  }
0x3a: {  	v2 =	vbroadcast v2, $0xF;
	v5 =	vnsel vm14, $0x0, v5  }
0x3b: {  	vm15 =	veq.s32 v3, v0;
	v3 =	vor.u32 $0x2, v14;
	v4 =	vadd.f32 v4, v5  }
0x3c: {  	v2 =	vnsel vm15, $0x0, v2;
	v7 =	vld.idx.msk [tilespmem:v14+s4+$0x0], $0xffff  }
0x3d: {  	v17 =	vadd.f32 v4, v2;
	v4 =	vor.u32 $0x3, v14  }
0x3e: {  	v6 =	vld.idx.msk [tilespmem:v6+s4+$0x0], $0xffff  }
0x3f: {  	v8 =	vor.u32 $0x4, v14;
	v5 =	vbroadcast v17, $0x0  }
0x40: {  	v9 =	vld.idx.msk [tilespmem:v3+s4+$0x0], $0xffff  }
0x41: {  	v10 =	vor.u32 $0x5, v14;
	v3 =	vbroadcast v17, $0x1;
	v7 =	vmul.f32 v7, v5  }
0x42: {  	v12 =	vor.u32 $0x6, v14;
	v11 =	vld.idx.msk [tilespmem:v4+s4+$0x0], $0xffff  }
0x43: {  	v2 =	vbroadcast v17, $0x2;
	v7 =	vadd.f32 $0.0e+00, v7;
	v6 =	vmul.f32 v6, v3  }
0x44: {  	v13 =	vor.u32 $0x7, v14;
	v8 =	vld.idx.msk [tilespmem:v8+s4+$0x0], $0xffff  }
0x45: {  	v4 =	vbroadcast v17, $0x3;
	v9 =	vmul.f32 v9, v2;
	v7 =	vadd.f32 v6, v7  }
0x46: {  	v15 =	vor.u32 $0x8, v14;
	v10 =	vld.idx.msk [tilespmem:v10+s4+$0x0], $0xffff  }
0x47: {  	v6 =	vbroadcast v17, $0x4;
	v9 =	vadd.f32 v9, v7;
	v11 =	vmul.f32 v11, v4  }
0x48: {  	v16 =	vor.u32 $0x9, v14;
	v12 =	vld.idx.msk [tilespmem:v12+s4+$0x0], $0xffff  }
0x49: {  	v7 =	vbroadcast v17, $0x5;
	v9 =	vadd.f32 v11, v9;
	v11 =	vmul.f32 v8, v6  }
0x4a: {  	v18 =	vor.u32 $0xA, v14;
	v13 =	vld.idx.msk [tilespmem:v13+s4+$0x0], $0xffff  }
0x4b: {  	v8 =	vbroadcast v17, $0x6;
	v10 =	vmul.f32 v10, v7;
	v11 =	vadd.f32 v11, v9  }
0x4c: {  	v19 =	vor.u32 $0xB, v14;
	v15 =	vld.idx.msk [tilespmem:v15+s4+$0x0], $0xffff  }
0x4d: {  	v9 =	vbroadcast v17, $0x7;
	v12 =	vmul.f32 v12, v8;
	v11 =	vadd.f32 v10, v11  }
0x4e: {  	v20 =	vor.u32 $0xC, v14;
	v16 =	vld.idx.msk [tilespmem:v16+s4+$0x0], $0xffff  }
0x4f: {  	v10 =	vbroadcast v17, $0x8;
	v13 =	vmul.f32 v13, v9;
	v12 =	vadd.f32 v12, v11  }
0x50: {  	v21 =	vor.u32 $0xD, v14;
	v18 =	vld.idx.msk [tilespmem:v18+s4+$0x0], $0xffff  }
0x51: {  	v11 =	vbroadcast v17, $0x9;
	v15 =	vmul.f32 v15, v10;
	v13 =	vadd.f32 v13, v12  }
0x52: {  	v22 =	vor.u32 $0xE, v14;
	v19 =	vld.idx.msk [tilespmem:v19+s4+$0x0], $0xffff  }
0x53: {  	v12 =	vbroadcast v17, $0xA;
	v16 =	vmul.f32 v16, v11;
	v15 =	vadd.f32 v15, v13  }
0x54: {  	v23 =	vor.u32 $0xF, v14;
	v20 =	vld.idx.msk [tilespmem:v20+s4+$0x0], $0xffff  }
0x55: {  	v13 =	vbroadcast v17, $0xB;
	v15 =	vadd.f32 v16, v15;
	v16 =	vmul.f32 v18, v12  }
0x56: {  	v18 =	vld.idx.msk [tilespmem:v21+s4+$0x0], $0xffff  }
0x57: {  	v14 =	vbroadcast v17, $0xC;
	v19 =	vmul.f32 v19, v13;
	v16 =	vadd.f32 v16, v15  }
0x58: {  	v42 =	vld.idx.msk [tilespmem:v22+s4+$0x0], $0xffff  }
0x59: {  	v20 =	vmul.f32 v20, v14;
	v15 =	vbroadcast v17, $0xD;
	v19 =	vadd.f32 v19, v16  }
0x5a: {  	v43 =	vld.idx.msk [tilespmem:v23+s4+$0x0], $0xffff  }
0x5b: {  	v16 =	vbroadcast v17, $0xE;
	v18 =	vmul.f32 v18, v15;
	v19 =	vadd.f32 v20, v19;
	_ =	sdelay $0x1  }
0x5c: {  	v17 =	vbroadcast v17, $0xF;
	v18 =	vadd.f32 v18, v19;
	v19 =	vmul.f32 v42, v16;
	_ =	sdelay $0x1  }
0x5d: {  	v18 =	vadd.f32 v19, v18;
	v19 =	vmul.f32 v43, v17;
	_ =	sdelay $0x1  }
0x5e: {  	v18 =	vadd.f32 v19, v18;
	_ =	sdelay $0x1  }
0x5f: {  	v18 =	vsub.f32 $0.0e+00, v18;
	_ =	sdelay $0x1  }
0x60: {  	v18 =	vmul.f32 $1.442695020e+00, v18;
	_ =	sdelay $0x1  }
0x61: {  	(erf) = vpow2.f32 v18;
	_ =	sdelay $0x8  }
0x62: {  	v18 =	vpop (erf)  }
0x63: {  	v18 =	vadd.f32 $1.000000000e+00, v18;
	_ =	sdelay $0x1  }
0x64: {  	(erf) = vrcp.f32 v18;
	_ =	sdelay $0x6  }
0x65: {  	s13 =	simm.s32 $0x10  }
0x66: {  	v18 =	vmov s13  }
0x67: {  	v18 =	vshll.u32 v18, $0x7;
	v19 =	vpop (erf)  }
0x68: {  	v18 =	vor.u32 v1, v18;
	v19 =	vmul.f32 $1.899999980e+00, v19;
	_ =	sdelay $0x1  }
0x69: {  	v20 =	vor.u32 $0x1, v18;
	v19 =	vadd.f32 $1.000000010e-01, v19;
	_ =	sdelay $0x1  }
0x6a: {  	v44 =	vor.u32 $0x2, v18;
	[tilespmem:s11+$0x0] =	vst v19  }
0x6b: {  	v19 =	vld.idx.msk [tilespmem:v18+s4+$0x0], $0xffff  }
0x6c: {  	v45 =	vor.u32 $0x3, v18  }
0x6d: {  	v20 =	vld.idx.msk [tilespmem:v20+s4+$0x0], $0xffff  }
0x6e: {  	v46 =	vor.u32 $0x4, v18  }
0x6f: {  	v21 =	vld.idx.msk [tilespmem:v44+s4+$0x0], $0xffff  }
0x70: {  	v24 =	vor.u32 $0x5, v18;
	v19 =	vmul.f32 v19, v5  }
0x71: {  	v22 =	vld.idx.msk [tilespmem:v45+s4+$0x0], $0xffff  }
0x72: {  	v25 =	vor.u32 $0x6, v18;
	v20 =	vmul.f32 v20, v3;
	v19 =	vadd.f32 $0.0e+00, v19  }
0x73: {  	v23 =	vld.idx.msk [tilespmem:v46+s4+$0x0], $0xffff  }
0x74: {  	v26 =	vor.u32 $0x7, v18;
	v19 =	vadd.f32 v20, v19;
	v20 =	vmul.f32 v21, v2  }
0x75: {  	v47 =	vld.idx.msk [tilespmem:v24+s4+$0x0], $0xffff  }
0x76: {  	v48 =	vor.u32 $0x8, v18;
	v19 =	vadd.f32 v20, v19;
	v20 =	vmul.f32 v22, v4  }
0x77: {  	v49 =	vld.idx.msk [tilespmem:v25+s4+$0x0], $0xffff  }
0x78: {  	v50 =	vor.u32 $0x9, v18;
	v19 =	vadd.f32 v20, v19;
	v20 =	vmul.f32 v23, v6  }
0x79: {  	v51 =	vld.idx.msk [tilespmem:v26+s4+$0x0], $0xffff  }
0x7a: {  	v52 =	vor.u32 $0xA, v18;
	v19 =	vadd.f32 v20, v19;
	v20 =	vmul.f32 v47, v7  }
0x7b: {  	v53 =	vld.idx.msk [tilespmem:v48+s4+$0x0], $0xffff  }
0x7c: {  	v54 =	vor.u32 $0xB, v18;
	v19 =	vadd.f32 v20, v19;
	v20 =	vmul.f32 v49, v8  }
0x7d: {  	v55 =	vld.idx.msk [tilespmem:v50+s4+$0x0], $0xffff  }
0x7e: {  	v56 =	vor.u32 $0xC, v18;
	v19 =	vadd.f32 v20, v19;
	v20 =	vmul.f32 v51, v9  }
0x7f: {  	v57 =	vld.idx.msk [tilespmem:v52+s4+$0x0], $0xffff  }
0x80: {  	v58 =	vor.u32 $0xD, v18;
	v19 =	vadd.f32 v20, v19;
	v20 =	vmul.f32 v53, v10  }
0x81: {  	v59 =	vld.idx.msk [tilespmem:v54+s4+$0x0], $0xffff  }
0x82: {  	v60 =	vor.u32 $0xE, v18;
	v19 =	vadd.f32 v20, v19;
	v20 =	vmul.f32 v55, v11  }
0x83: {  	v61 =	vld.idx.msk [tilespmem:v56+s4+$0x0], $0xffff  }
0x84: {  	v18 =	vor.u32 $0xF, v18;
	v19 =	vadd.f32 v20, v19;
	v20 =	vmul.f32 v57, v12  }
0x85: {  	v62 =	vld.idx.msk [tilespmem:v58+s4+$0x0], $0xffff  }
0x86: {  	v19 =	vadd.f32 v20, v19;
	v20 =	vmul.f32 v59, v13  }
0x87: {  	v63 =	vld.idx.msk [tilespmem:v60+s4+$0x0], $0xffff  }
0x88: {  	v19 =	vadd.f32 v20, v19;
	v20 =	vmul.f32 v61, v14  }
0x89: {  	v18 =	vld.idx.msk [tilespmem:v18+s4+$0x0], $0xffff  }
0x8a: {  	v19 =	vadd.f32 v20, v19;
	v20 =	vmul.f32 v62, v15;
	_ =	sdelay $0x1  }
0x8b: {  	v19 =	vadd.f32 v20, v19;
	v20 =	vmul.f32 v63, v16;
	_ =	sdelay $0x1  }
0x8c: {  	v18 =	vmul.f32 v18, v17;
	v19 =	vadd.f32 v20, v19;
	_ =	sdelay $0x1  }
0x8d: {  	v18 =	vadd.f32 v18, v19;
	_ =	sdelay $0x1  }
0x8e: {  	v18 =	vsub.f32 $0.0e+00, v18;
	_ =	sdelay $0x1  }
0x8f: {  	v18 =	vmul.f32 $1.442695020e+00, v18;
	_ =	sdelay $0x1  }
0x90: {  	(erf) = vpow2.f32 v18;
	_ =	sdelay $0x8  }
0x91: {  	v18 =	vpop (erf)  }
0x92: {  	v18 =	vadd.f32 $1.000000000e+00, v18;
	_ =	sdelay $0x1  }
0x93: {  	(erf) = vrcp.f32 v18;
	_ =	sdelay $0x6  }
0x94: {  	s31 =	simm.s32 $0x20  }
0x95: {  	s14 =	simm.s32 $0x30;
	s13 =	simm.s32 $0x10100;
	v18 =	vmov s31  }
.LBB2_2:
0x96: {  	p0 =	sne.s32 s14, $0x1F0;
	v18 =	vshll.u32 v18, $0x7;
	v19 =	vpop (erf)  }
0x97: {  	v18 =	vor.u32 v1, v18;
	v19 =	vmul.f32 $1.899999980e+00, v19;
	_ =	sdelay $0x1  }
0x98: {  	v20 =	vor.u32 $0x1, v18;
	v19 =	vadd.f32 $1.000000010e-01, v19  }
0x99: {  	s13 =	sadd.s32 $0x10, s13  }
0x9a: {  	v21 =	vor.u32 $0x2, v18;
	[tilespmem:s13+$0x0] =	vst v19  }
0x9b: {  	v19 =	vld.idx.msk [tilespmem:v18+s4+$0x0], $0xffff  }
0x9c: {  	v22 =	vor.u32 $0x3, v18  }
0x9d: {  	v20 =	vld.idx.msk [tilespmem:v20+s4+$0x0], $0xffff  }
0x9e: {  	v23 =	vor.u32 $0x4, v18  }
0x9f: {  	v21 =	vld.idx.msk [tilespmem:v21+s4+$0x0], $0xffff  }
0xa0: {  	v24 =	vor.u32 $0x5, v18  }
0xa1: {  	v19 =	vmul.f32 v19, v5;
	v22 =	vld.idx.msk [tilespmem:v22+s4+$0x0], $0xffff  }
0xa2: {  	v25 =	vor.u32 $0x6, v18  }
0xa3: {  	v19 =	vadd.f32 $0.0e+00, v19;
	v20 =	vmul.f32 v20, v3;
	v23 =	vld.idx.msk [tilespmem:v23+s4+$0x0], $0xffff  }
0xa4: {  	v26 =	vor.u32 $0x7, v18  }
0xa5: {  	v19 =	vadd.f32 v20, v19;
	v20 =	vmul.f32 v21, v2;
	v21 =	vld.idx.msk [tilespmem:v24+s4+$0x0], $0xffff  }
0xa6: {  	v24 =	vor.u32 $0x8, v18  }
0xa7: {  	v19 =	vadd.f32 v20, v19;
	v20 =	vmul.f32 v22, v4;
	v22 =	vld.idx.msk [tilespmem:v25+s4+$0x0], $0xffff  }
0xa8: {  	v25 =	vor.u32 $0x9, v18  }
0xa9: {  	v19 =	vadd.f32 v20, v19;
	v20 =	vmul.f32 v23, v6;
	v23 =	vld.idx.msk [tilespmem:v26+s4+$0x0], $0xffff  }
0xaa: {  	v26 =	vor.u32 $0xA, v18  }
0xab: {  	v19 =	vadd.f32 v20, v19;
	v20 =	vmul.f32 v21, v7;
	v21 =	vld.idx.msk [tilespmem:v24+s4+$0x0], $0xffff  }
0xac: {  	v24 =	vor.u32 $0xB, v18  }
0xad: {  	v19 =	vadd.f32 v20, v19;
	v20 =	vmul.f32 v22, v8;
	v22 =	vld.idx.msk [tilespmem:v25+s4+$0x0], $0xffff  }
0xae: {  	v25 =	vor.u32 $0xC, v18  }
0xaf: {  	v19 =	vadd.f32 v20, v19;
	v20 =	vmul.f32 v23, v9;
	v23 =	vld.idx.msk [tilespmem:v26+s4+$0x0], $0xffff  }
0xb0: {  	v26 =	vor.u32 $0xD, v18  }
0xb1: {  	v19 =	vadd.f32 v20, v19;
	v20 =	vmul.f32 v21, v10;
	v21 =	vld.idx.msk [tilespmem:v24+s4+$0x0], $0xffff  }
0xb2: {  	v24 =	vor.u32 $0xE, v18  }
0xb3: {  	v19 =	vadd.f32 v20, v19;
	v20 =	vmul.f32 v22, v11;
	v22 =	vld.idx.msk [tilespmem:v25+s4+$0x0], $0xffff  }
0xb4: {  	v18 =	vor.u32 $0xF, v18  }
0xb5: {  	v19 =	vadd.f32 v20, v19;
	v20 =	vmul.f32 v23, v12;
	v23 =	vld.idx.msk [tilespmem:v26+s4+$0x0], $0xffff;
	_ =	sdelay $0x1  }
0xb6: {  	v19 =	vadd.f32 v20, v19;
	v20 =	vmul.f32 v21, v13;
	v21 =	vld.idx.msk [tilespmem:v24+s4+$0x0], $0xffff;
	_ =	sdelay $0x1  }
0xb7: {  	v19 =	vadd.f32 v20, v19;
	v20 =	vmul.f32 v22, v14;
	v18 =	vld.idx.msk [tilespmem:v18+s4+$0x0], $0xffff;
	_ =	sdelay $0x1  }
0xb8: {  	v19 =	vadd.f32 v20, v19;
	v20 =	vmul.f32 v23, v15;
	_ =	sdelay $0x1  }
0xb9: {  	v19 =	vadd.f32 v20, v19;
	v20 =	vmul.f32 v21, v16;
	_ =	sdelay $0x1  }
0xba: {  	v19 =	vadd.f32 v20, v19;
	v18 =	vmul.f32 v18, v17;
	_ =	sdelay $0x1  }
0xbb: {  	v18 =	vadd.f32 v18, v19;
	_ =	sdelay $0x1  }
0xbc: {  	v18 =	vsub.f32 $0.0e+00, v18;
	_ =	sdelay $0x1  }
0xbd: {  	v18 =	vmul.f32 $1.442695020e+00, v18;
	_ =	sdelay $0x1  }
0xbe: {  	(erf) = vpow2.f32 v18;
	_ =	sdelay $0x8  }
0xbf: {  	v18 =	vpop (erf)  }
0xc0: {  	v18 =	vadd.f32 $1.000000000e+00, v18;
	_ =	sdelay $0x1  }
0xc1: {  	(erf) = vrcp.f32 v18;
	_ =	sdelay $0x3  }
.Ltmp0:
0xc2: {  	(pc) =	sbr.rel @p0 .LBB2_2-.Ltmp0, $2  }
0xc3: {  	_ =	sdelay $0x2  }
0xc4: {  	v18 =	vmov s14;
	s14 =	sadd.s32 $0x10, s14  }
0xc5: {  	v18 =	vshll.u32 v18, $0x7;
	v19 =	vpop (erf)  }
0xc6: {  	v18 =	vor.u32 v1, v18;
	v19 =	vmul.f32 $1.899999980e+00, v19;
	_ =	sdelay $0x1  }
0xc7: {  	v20 =	vor.u32 $0x1, v18;
	v19 =	vadd.f32 $1.000000010e-01, v19  }
0xc8: {  	s13 =	sadd.s32 $0x10, s13  }
0xc9: {  	v21 =	vor.u32 $0x2, v18;
	[tilespmem:s13+$0x0] =	vst v19  }
0xca: {  	v19 =	vld.idx.msk [tilespmem:v18+s4+$0x0], $0xffff  }
0xcb: {  	v22 =	vor.u32 $0x3, v18  }
0xcc: {  	v20 =	vld.idx.msk [tilespmem:v20+s4+$0x0], $0xffff  }
0xcd: {  	v23 =	vor.u32 $0x4, v18  }
0xce: {  	v21 =	vld.idx.msk [tilespmem:v21+s4+$0x0], $0xffff  }
0xcf: {  	v24 =	vor.u32 $0x5, v18;
	v5 =	vmul.f32 v19, v5  }
0xd0: {  	v41 =	vld.idx.msk [tilespmem:v22+s4+$0x0], $0xffff  }
0xd1: {  	v42 =	vor.u32 $0x6, v18;
	v3 =	vmul.f32 v20, v3;
	v5 =	vadd.f32 $0.0e+00, v5  }
0xd2: {  	v43 =	vld.idx.msk [tilespmem:v23+s4+$0x0], $0xffff  }
0xd3: {  	v44 =	vor.u32 $0x7, v18;
	v2 =	vmul.f32 v21, v2;
	v3 =	vadd.f32 v3, v5  }
0xd4: {  	v45 =	vld.idx.msk [tilespmem:v24+s4+$0x0], $0xffff  }
0xd5: {  	v46 =	vor.u32 $0x8, v18;
	v2 =	vadd.f32 v2, v3;
	v3 =	vmul.f32 v41, v4  }
0xd6: {  	v47 =	vld.idx.msk [tilespmem:v42+s4+$0x0], $0xffff  }
0xd7: {  	v48 =	vor.u32 $0x9, v18;
	v2 =	vadd.f32 v3, v2;
	v3 =	vmul.f32 v43, v6  }
0xd8: {  	v49 =	vld.idx.msk [tilespmem:v44+s4+$0x0], $0xffff  }
0xd9: {  	v50 =	vor.u32 $0xA, v18;
	v2 =	vadd.f32 v3, v2;
	v3 =	vmul.f32 v45, v7  }
0xda: {  	v51 =	vld.idx.msk [tilespmem:v46+s4+$0x0], $0xffff  }
0xdb: {  	v52 =	vor.u32 $0xB, v18;
	v2 =	vadd.f32 v3, v2;
	v3 =	vmul.f32 v47, v8  }
0xdc: {  	v53 =	vld.idx.msk [tilespmem:v48+s4+$0x0], $0xffff  }
0xdd: {  	v54 =	vor.u32 $0xC, v18;
	v2 =	vadd.f32 v3, v2;
	v3 =	vmul.f32 v49, v9  }
0xde: {  	v55 =	vld.idx.msk [tilespmem:v50+s4+$0x0], $0xffff  }
0xdf: {  	v56 =	vor.u32 $0xD, v18;
	v2 =	vadd.f32 v3, v2;
	v3 =	vmul.f32 v51, v10  }
0xe0: {  	v57 =	vld.idx.msk [tilespmem:v52+s4+$0x0], $0xffff  }
0xe1: {  	v58 =	vor.u32 $0xE, v18;
	v2 =	vadd.f32 v3, v2;
	v3 =	vmul.f32 v53, v11  }
0xe2: {  	v59 =	vld.idx.msk [tilespmem:v54+s4+$0x0], $0xffff  }
0xe3: {  	v60 =	vor.u32 $0xF, v18;
	v2 =	vadd.f32 v3, v2;
	v3 =	vmul.f32 v55, v12  }
0xe4: {  	v61 =	vld.idx.msk [tilespmem:v56+s4+$0x0], $0xffff  }
0xe5: {  	v2 =	vadd.f32 v3, v2;
	v3 =	vmul.f32 v57, v13  }
0xe6: {  	v62 =	vld.idx.msk [tilespmem:v58+s4+$0x0], $0xffff  }
0xe7: {  	v2 =	vadd.f32 v3, v2;
	v3 =	vmul.f32 v59, v14  }
0xe8: {  	v63 =	vld.idx.msk [tilespmem:v60+s4+$0x0], $0xffff  }
0xe9: {  	v2 =	vadd.f32 v3, v2;
	v3 =	vmul.f32 v61, v15;
	_ =	sdelay $0x1  }
0xea: {  	v2 =	vadd.f32 v3, v2;
	v3 =	vmul.f32 v62, v16;
	_ =	sdelay $0x1  }
0xeb: {  	v2 =	vadd.f32 v3, v2;
	v3 =	vmul.f32 v63, v17;
	_ =	sdelay $0x1  }
0xec: {  	v2 =	vadd.f32 v3, v2;
	_ =	sdelay $0x1  }
0xed: {  	v2 =	vsub.f32 $0.0e+00, v2;
	_ =	sdelay $0x1  }
0xee: {  	v2 =	vmul.f32 $1.442695020e+00, v2;
	_ =	sdelay $0x1  }
0xef: {  	(erf) = vpow2.f32 v2;
	_ =	sdelay $0x8  }
0xf0: {  	v2 =	vpop (erf)  }
0xf1: {  	v2 =	vadd.f32 $1.000000000e+00, v2;
	_ =	sdelay $0x1  }
0xf2: {  	(erf) = vrcp.f32 v2;
	_ =	sdelay $0x8  }
0xf3: {  	v2 =	vpop (erf)  }
0xf4: {  	v2 =	vmul.f32 $1.899999980e+00, v2;
	_ =	sdelay $0x1  }
0xf5: {  	s12 =	sadd.s32 $0x1, s12;
	v2 =	vadd.f32 $1.000000010e-01, v2  }
0xf6: {  	p0 =	sne.s32 s12, s7;
	s13 =	sadd.s32 $0x10, s13  }
.Ltmp1:
0xf7: {  	[tilespmem:s13+$0x0] =	vst v2;
	(pc) =	sbr.rel @p0 .LBB2_1-.Ltmp1, $4  }
0xf8: {  	[hbm4b:s6+s4] =	stream.linear.scatter [tilespmem:s11], [sflag:$0x1], $0x200, $0x38;
	[tilespmem:$0x10300] =	vst v63  }
0xf9: {  	_ =	swait.ge [sflag:s8], $0x200  }
0xfa: {  	[sflag:s8] =	ssyncset.done $0x0  }
0xfb: {  	[sflag:s8] =	ssyncadd.s32 $0xFFFFFE00  }
0xfc: {  	_ =	sfence.sel $0x180000  }
0xfd: {  	[bflag:$0x0] =	sbarrier.arrive $0xFFFF  }
0xfe: {  	p0 =	sne.s32 s2, $0x0;
	_ =	strace $0x90000047  }
0xff: {  	s0 =	sadd.s32 @!p0 $0x100000, s0;
	[bflag:$0x2] =	sbarrier.arrive $0xFFFF  }
0x100: {  	[sflag:s0] =	ssyncadd.tile.s32 @!p0 $0x1;
	_ =	shalt  }
.Lfunc_end2:
_tile_overlayer_lowered:
.L_overlay_start_2:
0x101: {  	(tag) =	ssettag $0x2  }
0x102: {  	s0 =	rddreg [dreg:$0x0];
	s2 =	stileid.u32  }
0x103: {  	s1 =	rddreg [dreg:$0x1];
	p0 =	sne.s32 s2, $0x0  }
0x104: {  	s3 =	rddreg [dreg:$0x2];
	[bflag:$0x3] =	sbarrier.arrive $0xFFFF;
	s2 =	simm.s32 @!p0 $0x1C01  }
0x105: {  	[timem:s3], [sflag:s2] =	dma.local @!p0 [hbm:s0], s1  }
0x106: {  	s0 =	simm.s32 @!p0 $0x1  }
0x107: {  	_ =	swait.ge @!p0 [sflag:s0], s1  }
0x108: {  	s1 =	ssub.s32 @!p0 $0x0, s1;
	[sflag:s0] =	ssyncset.done @!p0 $0x0  }
0x109: {  	[sflag:s0] =	ssyncadd.s32 @!p0 s1  }
0x10a: {  	[bflag:$0x3] =	sbarrier.arrive $0xFFFF  }
0x10b: {  	_ =	shalt  }

</sc_bundles>
